<compile_context>
chip_gen: v7x
topology: tpu7x:2x2x1
jax: 0.10.2.dev20260603
libtpu: 0.0.44.dev20260713+nightly
codegen_flags: <defaults>
</compile_context>

<pallas_src>
import functools

import jax
import jax.numpy as jnp
from jax import lax
from jax.experimental import pallas as pl
from jax.experimental.pallas import tpu as pltpu
from jax.experimental.pallas import tpu_sc as plsc

NC = 2
NS = 16
NW = NC * NS
L = 16
H = 256


@functools.lru_cache(maxsize=None)
def _build(batch: int, embed_dim: int):
    assert embed_dim == 2 * L, "kernel assumes EMBED_DIM == 32"
    assert batch % (H * NW) == 0
    b_per_w = batch // NW

    mesh = plsc.VectorSubcoreMesh(
        core_axis_name="c", subcore_axis_name="s", num_cores=NC, num_subcores=NS
    )

    @functools.partial(
        pl.kernel,
        out_type=jax.ShapeDtypeStruct((batch,), jnp.float32),
        mesh=mesh,
        compiler_params=pltpu.CompilerParams(needs_layout_passes=False),
        scratch_types=[
            pltpu.VMEM((b_per_w,), jnp.int32),
            pltpu.VMEM((b_per_w,), jnp.int32),
            pltpu.VMEM((H, 2 * L), jnp.float32),
            pltpu.VMEM((H, 2 * L), jnp.float32),
            pltpu.VMEM((b_per_w,), jnp.float32),
            pltpu.VMEM((L * (L + 1),), jnp.float32),
            pltpu.VMEM((b_per_w,), jnp.float32),
            pltpu.SemaphoreType.DMA,
            pltpu.SemaphoreType.DMA,
        ],
    )
    def kern(uid_hbm, iid_hbm, utab_hbm, itab_hbm, bias_hbm, out_hbm,
             uidx_v, iidx_v, uemb_v, iemb_v, bias_v, p_v, out_v,
             sem_u, sem_i):
        wid = lax.axis_index("s") * NC + lax.axis_index("c")
        base = wid * b_per_w

        pltpu.sync_copy(uid_hbm.at[pl.ds(base, b_per_w)], uidx_v)
        pltpu.sync_copy(iid_hbm.at[pl.ds(base, b_per_w)], iidx_v)
        pltpu.sync_copy(bias_hbm.at[pl.ds(base, b_per_w)], bias_v)

        lanes_scaled = lax.iota(jnp.int32, L) * (L + 1)

        def phase(ph, _):
            off = ph * H

            def issue(b, _):
                i0 = b * L
                uvec = uidx_v[pl.ds(off + i0, L)]
                ivec = iidx_v[pl.ds(off + i0, L)]
                for j in range(L):
                    pltpu.make_async_copy(
                        utab_hbm.at[pl.ds(uvec[j], 1)],
                        uemb_v.at[pl.ds(i0 + j, 1)],
                        sem_u,
                    ).start()
                    pltpu.make_async_copy(
                        itab_hbm.at[pl.ds(ivec[j], 1)],
                        iemb_v.at[pl.ds(i0 + j, 1)],
                        sem_i,
                    ).start()
                return ()

            lax.fori_loop(0, H // L, issue, (), unroll=False)
            pltpu.make_async_copy(
                utab_hbm.at[pl.ds(0, H)], uemb_v, sem_u
            ).wait()
            pltpu.make_async_copy(
                itab_hbm.at[pl.ds(0, H)], iemb_v, sem_i
            ).wait()

            def group(g, _):
                r0 = g * L
                for j in range(L):
                    r = r0 + j
                    u0 = uemb_v[r, pl.ds(0, L)]
                    u1 = uemb_v[r, pl.ds(L, L)]
                    i0 = iemb_v[r, pl.ds(0, L)]
                    i1 = iemb_v[r, pl.ds(L, L)]
                    part = u0 * i0 + u1 * i1
                    plsc.store_scatter(p_v, [lanes_scaled + j], part)
                acc = p_v[pl.ds(0, L)]
                for lane in range(1, L):
                    acc = acc + p_v[pl.ds(lane * (L + 1), L)]
                score = acc + bias_v[pl.ds(off + r0, L)]
                out_v[pl.ds(off + r0, L)] = 1.0 / (1.0 + jnp.exp(-score))
                return ()

            lax.fori_loop(0, H // L, group, (), unroll=False)
            return ()

        lax.fori_loop(0, b_per_w // H, phase, (), unroll=False)
        pltpu.sync_copy(out_v, out_hbm.at[pl.ds(base, b_per_w)])

    return kern


def kernel(inputs, user_table, item_table, user_bias, item_bias, global_bias):
    batch = inputs.shape[0]
    user_ids = inputs[:, 0]
    item_ids = inputs[:, 1]
    bias_sum = (
        jnp.take(user_bias.T.reshape(-1), user_ids)
        + jnp.take(item_bias.T.reshape(-1), item_ids)
        + global_bias
    )
    kern = _build(batch, user_table.shape[1])
    return kern(user_ids, item_ids, user_table, item_table, bias_sum)

# --- scband reference (transcript-rebuilt; emitter-appended) ---
"""Pipeline reference for scband-matrix-factorization-53824530153685 (READ-ONLY COPY).

The authoritative reference and input builder live on the scoring server;
editing this copy changes nothing except your own understanding.
"""

import jax, jax.numpy as jnp
import numpy as np

N_USERS = 1_000_000
N_ITEMS = 1_000_000
EMBED_DIM = 32
BATCH = 16384


def setup_inputs(seed: int = 0) -> dict:
    key = jax.random.key(seed)
    k_idx, k_u, k_i = jax.random.split(key, 3)
    inputs = jax.random.randint(k_idx, (BATCH, 2), 0, N_USERS, dtype=jnp.int32)
    he_std = float(np.sqrt(2.0 / EMBED_DIM))
    user_table = jax.random.normal(k_u, (N_USERS, EMBED_DIM), dtype=jnp.float32) * he_std
    item_table = jax.random.normal(k_i, (N_ITEMS, EMBED_DIM), dtype=jnp.float32) * he_std
    user_bias = jnp.zeros((N_USERS, 1), dtype=jnp.float32)
    item_bias = jnp.zeros((N_ITEMS, 1), dtype=jnp.float32)
    global_bias = jnp.float32(0.0)
    return {
        "inputs": inputs,
        "user_table": user_table,
        "item_table": item_table,
        "user_bias": user_bias,
        "item_bias": item_bias,
        "global_bias": global_bias,
    }


def reference(inputs, user_table, item_table, user_bias, item_bias, global_bias):
    user_ids = inputs[:, 0]
    item_ids = inputs[:, 1]
    user_emb = jnp.take(user_table, user_ids, axis=0)
    item_emb = jnp.take(item_table, item_ids, axis=0)
    dot = jnp.sum(user_emb * item_emb, axis=1)
    u_bias = jnp.take(user_bias, user_ids, axis=0)[:, 0]
    i_bias = jnp.take(item_bias, item_ids, axis=0)[:, 0]
    score = dot + u_bias + i_bias + global_bias
    return jax.nn.sigmoid(score)

if __name__ == "__main__":
    import jax
    _d = setup_inputs()
    print(jax.jit(kernel)(*tuple(_d.values())))

</pallas_src>

<mosaic_0001>
#map = affine_map<(d0, d1) -> (0)>
#map1 = affine_map<(d0, d1) -> (0, 0)>
module attributes {stable_mosaic.version = 14 : i64} {
  func.func @kern(%arg0: i32, %arg1: i32, %arg2: memref<16384xi32, #tpu.memory_space<hbm>>, %arg3: memref<16384xi32, #tpu.memory_space<hbm>>, %arg4: memref<1000000x32xf32, #tpu.memory_space<hbm>>, %arg5: memref<1000000x32xf32, #tpu.memory_space<hbm>>, %arg6: memref<16384xf32, #tpu.memory_space<hbm>>, %arg7: memref<16384xf32, #tpu.memory_space<hbm>>, %arg8: memref<512xi32, #tpu.memory_space<vmem>>, %arg9: memref<512xi32, #tpu.memory_space<vmem>>, %arg10: memref<256x32xf32, #tpu.memory_space<vmem>>, %arg11: memref<256x32xf32, #tpu.memory_space<vmem>>, %arg12: memref<512xf32, #tpu.memory_space<vmem>>, %arg13: memref<272xf32, #tpu.memory_space<vmem>>, %arg14: memref<512xf32, #tpu.memory_space<vmem>>, %arg15: memref<!tpu.dma_semaphore, #tpu.memory_space<semaphore_mem>>, %arg16: memref<!tpu.dma_semaphore, #tpu.memory_space<semaphore_mem>>) attributes {dimension_semantics = [#tpu.dimension_semantics<core_parallel>, #tpu.dimension_semantics<subcore_parallel>], iteration_bounds = array<i64: 2, 16>, scalar_prefetch = 0 : i64, scratch_operands = 9 : i64, tpu.core_type = #tpu.core_type<sc_vector_subcore>, window_params = [{transform_indices = #map}, {transform_indices = #map}, {transform_indices = #map1}, {transform_indices = #map1}, {transform_indices = #map}, {transform_indices = #map}]} {
    %mul3A = arith.constant 2 : i32
    %mul3A_0 = arith.muli %arg1, %mul3A : i32
    %add3A = arith.addi %mul3A_0, %arg0 : i32
    %mul3A_1 = arith.constant 512 : i32
    %mul3A_2 = arith.muli %add3A, %mul3A_1 : i32
    "tpu.region"() ({
      %run_scoped3A = tpu.sem_alloc : memref<!tpu.dma_semaphore, #tpu.memory_space<semaphore_mem>>
      %dma_start3A = tpu.memref_slice %arg2[%mul3A_2] : memref<16384xi32, #tpu.memory_space<hbm>> -> memref<512xi32, #tpu.memory_space<hbm>>
      %dma_start3A_10 = tpu.memref_slice %arg2[%mul3A_2] : memref<16384xi32, #tpu.memory_space<hbm>> -> memref<512xi32, #tpu.memory_space<hbm>>
      tpu.enqueue_dma source(%dma_start3A_10 : memref<512xi32, #tpu.memory_space<hbm>>) target(%arg8 : memref<512xi32, #tpu.memory_space<vmem>>) target_semaphore(%run_scoped3A : memref<!tpu.dma_semaphore, #tpu.memory_space<semaphore_mem>>)
      %dma_wait3A = tpu.memref_slice %arg2[%mul3A_2] : memref<16384xi32, #tpu.memory_space<hbm>> -> memref<512xi32, #tpu.memory_space<hbm>>
      %dma_wait3A_11 = tpu.memref_slice %arg2[%mul3A_2] : memref<16384xi32, #tpu.memory_space<hbm>> -> memref<512xi32, #tpu.memory_space<hbm>>
      tpu.wait_dma2 semaphore(%run_scoped3A : memref<!tpu.dma_semaphore, #tpu.memory_space<semaphore_mem>>) src(%dma_wait3A_11 : memref<512xi32, #tpu.memory_space<hbm>>) dst(%arg8 : memref<512xi32, #tpu.memory_space<vmem>>)
      tpu.yield
    }) : () -> ()
    "tpu.region"() ({
      %run_scoped3A = tpu.sem_alloc : memref<!tpu.dma_semaphore, #tpu.memory_space<semaphore_mem>>
      %dma_start3A = tpu.memref_slice %arg3[%mul3A_2] : memref<16384xi32, #tpu.memory_space<hbm>> -> memref<512xi32, #tpu.memory_space<hbm>>
      %dma_start3A_10 = tpu.memref_slice %arg3[%mul3A_2] : memref<16384xi32, #tpu.memory_space<hbm>> -> memref<512xi32, #tpu.memory_space<hbm>>
      tpu.enqueue_dma source(%dma_start3A_10 : memref<512xi32, #tpu.memory_space<hbm>>) target(%arg9 : memref<512xi32, #tpu.memory_space<vmem>>) target_semaphore(%run_scoped3A : memref<!tpu.dma_semaphore, #tpu.memory_space<semaphore_mem>>)
      %dma_wait3A = tpu.memref_slice %arg3[%mul3A_2] : memref<16384xi32, #tpu.memory_space<hbm>> -> memref<512xi32, #tpu.memory_space<hbm>>
      %dma_wait3A_11 = tpu.memref_slice %arg3[%mul3A_2] : memref<16384xi32, #tpu.memory_space<hbm>> -> memref<512xi32, #tpu.memory_space<hbm>>
      tpu.wait_dma2 semaphore(%run_scoped3A : memref<!tpu.dma_semaphore, #tpu.memory_space<semaphore_mem>>) src(%dma_wait3A_11 : memref<512xi32, #tpu.memory_space<hbm>>) dst(%arg9 : memref<512xi32, #tpu.memory_space<vmem>>)
      tpu.yield
    }) : () -> ()
    "tpu.region"() ({
      %run_scoped3A = tpu.sem_alloc : memref<!tpu.dma_semaphore, #tpu.memory_space<semaphore_mem>>
      %dma_start3A = tpu.memref_slice %arg6[%mul3A_2] : memref<16384xf32, #tpu.memory_space<hbm>> -> memref<512xf32, #tpu.memory_space<hbm>>
      %dma_start3A_10 = tpu.memref_slice %arg6[%mul3A_2] : memref<16384xf32, #tpu.memory_space<hbm>> -> memref<512xf32, #tpu.memory_space<hbm>>
      tpu.enqueue_dma source(%dma_start3A_10 : memref<512xf32, #tpu.memory_space<hbm>>) target(%arg12 : memref<512xf32, #tpu.memory_space<vmem>>) target_semaphore(%run_scoped3A : memref<!tpu.dma_semaphore, #tpu.memory_space<semaphore_mem>>)
      %dma_wait3A = tpu.memref_slice %arg6[%mul3A_2] : memref<16384xf32, #tpu.memory_space<hbm>> -> memref<512xf32, #tpu.memory_space<hbm>>
      %dma_wait3A_11 = tpu.memref_slice %arg6[%mul3A_2] : memref<16384xf32, #tpu.memory_space<hbm>> -> memref<512xf32, #tpu.memory_space<hbm>>
      tpu.wait_dma2 semaphore(%run_scoped3A : memref<!tpu.dma_semaphore, #tpu.memory_space<semaphore_mem>>) src(%dma_wait3A_11 : memref<512xf32, #tpu.memory_space<hbm>>) dst(%arg12 : memref<512xf32, #tpu.memory_space<vmem>>)
      tpu.yield
    }) : () -> ()
    %iota3A = tpu.iota {dimensions = array<i32: 0>} : vector<16xi32>
    %mul3A_3 = arith.constant 17 : i32
    %mul3A_4 = vector.broadcast %mul3A_3 : i32 to vector<16xi32>
    %mul3A_5 = arith.muli %iota3A, %mul3A_4 : vector<16xi32>
    %scan3A = arith.constant 0 : i32
    %scan3A_6 = arith.constant 2 : i32
    %scan3A_7 = arith.addi %scan3A, %scan3A_6 : i32
    %scan3A_8 = arith.constant 1 : i32
    scf.for %scan3A_10 = %scan3A to %scan3A_7 step %scan3A_8  : i32 {
      %mul3A_11 = arith.constant 256 : i32
      %mul3A_12 = arith.muli %scan3A_10, %mul3A_11 : i32
      %scan3A_13 = arith.constant 0 : i32
      %scan3A_14 = arith.constant 16 : i32
      %scan3A_15 = arith.addi %scan3A_13, %scan3A_14 : i32
      %scan3A_16 = arith.constant 1 : i32
      scf.for %scan3A_34 = %scan3A_13 to %scan3A_15 step %scan3A_16  : i32 {
        %mul3A_35 = arith.constant 16 : i32
        %mul3A_36 = arith.muli %scan3A_34, %mul3A_35 : i32
        %add3A_37 = arith.addi %mul3A_12, %mul3A_36 : i32
        %get3A = arith.index_cast %add3A_37 : i32 to index
        %get3A_38 = tpu.vector_load %arg8[%get3A] {strides = array<i32>} : memref<512xi32, #tpu.memory_space<vmem>>, vector<16xi32>,
        %add3A_39 = arith.addi %mul3A_12, %mul3A_36 : i32
        %get3A_40 = arith.index_cast %add3A_39 : i32 to index
        %get3A_41 = tpu.vector_load %arg9[%get3A_40] {strides = array<i32>} : memref<512xi32, #tpu.memory_space<vmem>>, vector<16xi32>,
        %slice3A = vector.extract_strided_slice %get3A_38 {offsets = [0], sizes = [1], strides = [1]} : vector<16xi32> to vector<1xi32>
        %squeeze3A = vector.extract %slice3A[0] : i32 from vector<1xi32>
        %add3A_42 = arith.constant 0 : i32
        %add3A_43 = arith.addi %mul3A_36, %add3A_42 : i32
        %dma_start3A = arith.constant 0 : i32
        %dma_start3A_44 = tpu.memref_slice %arg10[%add3A_43, %dma_start3A] : memref<256x32xf32, #tpu.memory_space<vmem>> -> memref<1x32xf32, #tpu.memory_space<vmem>>
        %dma_start3A_45 = arith.constant 0 : i32
        %dma_start3A_46 = tpu.memref_slice %arg4[%squeeze3A, %dma_start3A_45] : memref<1000000x32xf32, #tpu.memory_space<hbm>> -> memref<1x32xf32, #tpu.memory_space<hbm>>
        %dma_start3A_47 = arith.constant 0 : i32
        %dma_start3A_48 = tpu.memref_slice %arg10[%add3A_43, %dma_start3A_47] : memref<256x32xf32, #tpu.memory_space<vmem>> -> memref<1x32xf32, #tpu.memory_space<vmem>>
        %dma_start3A_49 = arith.constant 0 : i32
        %dma_start3A_50 = tpu.memref_slice %arg4[%squeeze3A, %dma_start3A_49] : memref<1000000x32xf32, #tpu.memory_space<hbm>> -> memref<1x32xf32, #tpu.memory_space<hbm>>
        tpu.enqueue_dma source(%dma_start3A_50 : memref<1x32xf32, #tpu.memory_space<hbm>>) target(%dma_start3A_48 : memref<1x32xf32, #tpu.memory_space<vmem>>) target_semaphore(%arg15 : memref<!tpu.dma_semaphore, #tpu.memory_space<semaphore_mem>>)
        %slice3A_51 = vector.extract_strided_slice %get3A_41 {offsets = [0], sizes = [1], strides = [1]} : vector<16xi32> to vector<1xi32>
        %squeeze3A_52 = vector.extract %slice3A_51[0] : i32 from vector<1xi32>
        %add3A_53 = arith.constant 0 : i32
        %add3A_54 = arith.addi %mul3A_36, %add3A_53 : i32
        %dma_start3A_55 = arith.constant 0 : i32
        %dma_start3A_56 = tpu.memref_slice %arg11[%add3A_54, %dma_start3A_55] : memref<256x32xf32, #tpu.memory_space<vmem>> -> memref<1x32xf32, #tpu.memory_space<vmem>>
        %dma_start3A_57 = arith.constant 0 : i32
        %dma_start3A_58 = tpu.memref_slice %arg5[%squeeze3A_52, %dma_start3A_57] : memref<1000000x32xf32, #tpu.memory_space<hbm>> -> memref<1x32xf32, #tpu.memory_space<hbm>>
        %dma_start3A_59 = arith.constant 0 : i32
        %dma_start3A_60 = tpu.memref_slice %arg11[%add3A_54, %dma_start3A_59] : memref<256x32xf32, #tpu.memory_space<vmem>> -> memref<1x32xf32, #tpu.memory_space<vmem>>
        %dma_start3A_61 = arith.constant 0 : i32
        %dma_start3A_62 = tpu.memref_slice %arg5[%squeeze3A_52, %dma_start3A_61] : memref<1000000x32xf32, #tpu.memory_space<hbm>> -> memref<1x32xf32, #tpu.memory_space<hbm>>
        tpu.enqueue_dma source(%dma_start3A_62 : memref<1x32xf32, #tpu.memory_space<hbm>>) target(%dma_start3A_60 : memref<1x32xf32, #tpu.memory_space<vmem>>) target_semaphore(%arg16 : memref<!tpu.dma_semaphore, #tpu.memory_space<semaphore_mem>>)
        %slice3A_63 = vector.extract_strided_slice %get3A_38 {offsets = [1], sizes = [1], strides = [1]} : vector<16xi32> to vector<1xi32>
        %squeeze3A_64 = vector.extract %slice3A_63[0] : i32 from vector<1xi32>
        %add3A_65 = arith.constant 1 : i32
        %add3A_66 = arith.addi %mul3A_36, %add3A_65 : i32
        %dma_start3A_67 = arith.constant 0 : i32
        %dma_start3A_68 = tpu.memref_slice %arg10[%add3A_66, %dma_start3A_67] : memref<256x32xf32, #tpu.memory_space<vmem>> -> memref<1x32xf32, #tpu.memory_space<vmem>>
        %dma_start3A_69 = arith.constant 0 : i32
        %dma_start3A_70 = tpu.memref_slice %arg4[%squeeze3A_64, %dma_start3A_69] : memref<1000000x32xf32, #tpu.memory_space<hbm>> -> memref<1x32xf32, #tpu.memory_space<hbm>>
        %dma_start3A_71 = arith.constant 0 : i32
        %dma_start3A_72 = tpu.memref_slice %arg10[%add3A_66, %dma_start3A_71] : memref<256x32xf32, #tpu.memory_space<vmem>> -> memref<1x32xf32, #tpu.memory_space<vmem>>
        %dma_start3A_73 = arith.constant 0 : i32
        %dma_start3A_74 = tpu.memref_slice %arg4[%squeeze3A_64, %dma_start3A_73] : memref<1000000x32xf32, #tpu.memory_space<hbm>> -> memref<1x32xf32, #tpu.memory_space<hbm>>
        tpu.enqueue_dma source(%dma_start3A_74 : memref<1x32xf32, #tpu.memory_space<hbm>>) target(%dma_start3A_72 : memref<1x32xf32, #tpu.memory_space<vmem>>) target_semaphore(%arg15 : memref<!tpu.dma_semaphore, #tpu.memory_space<semaphore_mem>>)
        %slice3A_75 = vector.extract_strided_slice %get3A_41 {offsets = [1], sizes = [1], strides = [1]} : vector<16xi32> to vector<1xi32>
        %squeeze3A_76 = vector.extract %slice3A_75[0] : i32 from vector<1xi32>
        %add3A_77 = arith.constant 1 : i32
        %add3A_78 = arith.addi %mul3A_36, %add3A_77 : i32
        %dma_start3A_79 = arith.constant 0 : i32
        %dma_start3A_80 = tpu.memref_slice %arg11[%add3A_78, %dma_start3A_79] : memref<256x32xf32, #tpu.memory_space<vmem>> -> memref<1x32xf32, #tpu.memory_space<vmem>>
        %dma_start3A_81 = arith.constant 0 : i32
        %dma_start3A_82 = tpu.memref_slice %arg5[%squeeze3A_76, %dma_start3A_81] : memref<1000000x32xf32, #tpu.memory_space<hbm>> -> memref<1x32xf32, #tpu.memory_space<hbm>>
        %dma_start3A_83 = arith.constant 0 : i32
        %dma_start3A_84 = tpu.memref_slice %arg11[%add3A_78, %dma_start3A_83] : memref<256x32xf32, #tpu.memory_space<vmem>> -> memref<1x32xf32, #tpu.memory_space<vmem>>
        %dma_start3A_85 = arith.constant 0 : i32
        %dma_start3A_86 = tpu.memref_slice %arg5[%squeeze3A_76, %dma_start3A_85] : memref<1000000x32xf32, #tpu.memory_space<hbm>> -> memref<1x32xf32, #tpu.memory_space<hbm>>
        tpu.enqueue_dma source(%dma_start3A_86 : memref<1x32xf32, #tpu.memory_space<hbm>>) target(%dma_start3A_84 : memref<1x32xf32, #tpu.memory_space<vmem>>) target_semaphore(%arg16 : memref<!tpu.dma_semaphore, #tpu.memory_space<semaphore_mem>>)
        %slice3A_87 = vector.extract_strided_slice %get3A_38 {offsets = [2], sizes = [1], strides = [1]} : vector<16xi32> to vector<1xi32>
        %squeeze3A_88 = vector.extract %slice3A_87[0] : i32 from vector<1xi32>
        %add3A_89 = arith.constant 2 : i32
        %add3A_90 = arith.addi %mul3A_36, %add3A_89 : i32
        %dma_start3A_91 = arith.constant 0 : i32
        %dma_start3A_92 = tpu.memref_slice %arg10[%add3A_90, %dma_start3A_91] : memref<256x32xf32, #tpu.memory_space<vmem>> -> memref<1x32xf32, #tpu.memory_space<vmem>>
        %dma_start3A_93 = arith.constant 0 : i32
        %dma_start3A_94 = tpu.memref_slice %arg4[%squeeze3A_88, %dma_start3A_93] : memref<1000000x32xf32, #tpu.memory_space<hbm>> -> memref<1x32xf32, #tpu.memory_space<hbm>>
        %dma_start3A_95 = arith.constant 0 : i32
        %dma_start3A_96 = tpu.memref_slice %arg10[%add3A_90, %dma_start3A_95] : memref<256x32xf32, #tpu.memory_space<vmem>> -> memref<1x32xf32, #tpu.memory_space<vmem>>
        %dma_start3A_97 = arith.constant 0 : i32
        %dma_start3A_98 = tpu.memref_slice %arg4[%squeeze3A_88, %dma_start3A_97] : memref<1000000x32xf32, #tpu.memory_space<hbm>> -> memref<1x32xf32, #tpu.memory_space<hbm>>
        tpu.enqueue_dma source(%dma_start3A_98 : memref<1x32xf32, #tpu.memory_space<hbm>>) target(%dma_start3A_96 : memref<1x32xf32, #tpu.memory_space<vmem>>) target_semaphore(%arg15 : memref<!tpu.dma_semaphore, #tpu.memory_space<semaphore_mem>>)
        %slice3A_99 = vector.extract_strided_slice %get3A_41 {offsets = [2], sizes = [1], strides = [1]} : vector<16xi32> to vector<1xi32>
        %squeeze3A_100 = vector.extract %slice3A_99[0] : i32 from vector<1xi32>
        %add3A_101 = arith.constant 2 : i32
        %add3A_102 = arith.addi %mul3A_36, %add3A_101 : i32
        %dma_start3A_103 = arith.constant 0 : i32
        %dma_start3A_104 = tpu.memref_slice %arg11[%add3A_102, %dma_start3A_103] : memref<256x32xf32, #tpu.memory_space<vmem>> -> memref<1x32xf32, #tpu.memory_space<vmem>>
        %dma_start3A_105 = arith.constant 0 : i32
        %dma_start3A_106 = tpu.memref_slice %arg5[%squeeze3A_100, %dma_start3A_105] : memref<1000000x32xf32, #tpu.memory_space<hbm>> -> memref<1x32xf32, #tpu.memory_space<hbm>>
        %dma_start3A_107 = arith.constant 0 : i32
        %dma_start3A_108 = tpu.memref_slice %arg11[%add3A_102, %dma_start3A_107] : memref<256x32xf32, #tpu.memory_space<vmem>> -> memref<1x32xf32, #tpu.memory_space<vmem>>
        %dma_start3A_109 = arith.constant 0 : i32
        %dma_start3A_110 = tpu.memref_slice %arg5[%squeeze3A_100, %dma_start3A_109] : memref<1000000x32xf32, #tpu.memory_space<hbm>> -> memref<1x32xf32, #tpu.memory_space<hbm>>
        tpu.enqueue_dma source(%dma_start3A_110 : memref<1x32xf32, #tpu.memory_space<hbm>>) target(%dma_start3A_108 : memref<1x32xf32, #tpu.memory_space<vmem>>) target_semaphore(%arg16 : memref<!tpu.dma_semaphore, #tpu.memory_space<semaphore_mem>>)
        %slice3A_111 = vector.extract_strided_slice %get3A_38 {offsets = [3], sizes = [1], strides = [1]} : vector<16xi32> to vector<1xi32>
        %squeeze3A_112 = vector.extract %slice3A_111[0] : i32 from vector<1xi32>
        %add3A_113 = arith.constant 3 : i32
        %add3A_114 = arith.addi %mul3A_36, %add3A_113 : i32
        %dma_start3A_115 = arith.constant 0 : i32
        %dma_start3A_116 = tpu.memref_slice %arg10[%add3A_114, %dma_start3A_115] : memref<256x32xf32, #tpu.memory_space<vmem>> -> memref<1x32xf32, #tpu.memory_space<vmem>>
        %dma_start3A_117 = arith.constant 0 : i32
        %dma_start3A_118 = tpu.memref_slice %arg4[%squeeze3A_112, %dma_start3A_117] : memref<1000000x32xf32, #tpu.memory_space<hbm>> -> memref<1x32xf32, #tpu.memory_space<hbm>>
        %dma_start3A_119 = arith.constant 0 : i32
        %dma_start3A_120 = tpu.memref_slice %arg10[%add3A_114, %dma_start3A_119] : memref<256x32xf32, #tpu.memory_space<vmem>> -> memref<1x32xf32, #tpu.memory_space<vmem>>
        %dma_start3A_121 = arith.constant 0 : i32
        %dma_start3A_122 = tpu.memref_slice %arg4[%squeeze3A_112, %dma_start3A_121] : memref<1000000x32xf32, #tpu.memory_space<hbm>> -> memref<1x32xf32, #tpu.memory_space<hbm>>
        tpu.enqueue_dma source(%dma_start3A_122 : memref<1x32xf32, #tpu.memory_space<hbm>>) target(%dma_start3A_120 : memref<1x32xf32, #tpu.memory_space<vmem>>) target_semaphore(%arg15 : memref<!tpu.dma_semaphore, #tpu.memory_space<semaphore_mem>>)
        %slice3A_123 = vector.extract_strided_slice %get3A_41 {offsets = [3], sizes = [1], strides = [1]} : vector<16xi32> to vector<1xi32>
        %squeeze3A_124 = vector.extract %slice3A_123[0] : i32 from vector<1xi32>
        %add3A_125 = arith.constant 3 : i32
        %add3A_126 = arith.addi %mul3A_36, %add3A_125 : i32
        %dma_start3A_127 = arith.constant 0 : i32
        %dma_start3A_128 = tpu.memref_slice %arg11[%add3A_126, %dma_start3A_127] : memref<256x32xf32, #tpu.memory_space<vmem>> -> memref<1x32xf32, #tpu.memory_space<vmem>>
        %dma_start3A_129 = arith.constant 0 : i32
        %dma_start3A_130 = tpu.memref_slice %arg5[%squeeze3A_124, %dma_start3A_129] : memref<1000000x32xf32, #tpu.memory_space<hbm>> -> memref<1x32xf32, #tpu.memory_space<hbm>>
        %dma_start3A_131 = arith.constant 0 : i32
        %dma_start3A_132 = tpu.memref_slice %arg11[%add3A_126, %dma_start3A_131] : memref<256x32xf32, #tpu.memory_space<vmem>> -> memref<1x32xf32, #tpu.memory_space<vmem>>
        %dma_start3A_133 = arith.constant 0 : i32
        %dma_start3A_134 = tpu.memref_slice %arg5[%squeeze3A_124, %dma_start3A_133] : memref<1000000x32xf32, #tpu.memory_space<hbm>> -> memref<1x32xf32, #tpu.memory_space<hbm>>
        tpu.enqueue_dma source(%dma_start3A_134 : memref<1x32xf32, #tpu.memory_space<hbm>>) target(%dma_start3A_132 : memref<1x32xf32, #tpu.memory_space<vmem>>) target_semaphore(%arg16 : memref<!tpu.dma_semaphore, #tpu.memory_space<semaphore_mem>>)
        %slice3A_135 = vector.extract_strided_slice %get3A_38 {offsets = [4], sizes = [1], strides = [1]} : vector<16xi32> to vector<1xi32>
        %squeeze3A_136 = vector.extract %slice3A_135[0] : i32 from vector<1xi32>
        %add3A_137 = arith.constant 4 : i32
        %add3A_138 = arith.addi %mul3A_36, %add3A_137 : i32
        %dma_start3A_139 = arith.constant 0 : i32
        %dma_start3A_140 = tpu.memref_slice %arg10[%add3A_138, %dma_start3A_139] : memref<256x32xf32, #tpu.memory_space<vmem>> -> memref<1x32xf32, #tpu.memory_space<vmem>>
        %dma_start3A_141 = arith.constant 0 : i32
        %dma_start3A_142 = tpu.memref_slice %arg4[%squeeze3A_136, %dma_start3A_141] : memref<1000000x32xf32, #tpu.memory_space<hbm>> -> memref<1x32xf32, #tpu.memory_space<hbm>>
        %dma_start3A_143 = arith.constant 0 : i32
        %dma_start3A_144 = tpu.memref_slice %arg10[%add3A_138, %dma_start3A_143] : memref<256x32xf32, #tpu.memory_space<vmem>> -> memref<1x32xf32, #tpu.memory_space<vmem>>
        %dma_start3A_145 = arith.constant 0 : i32
        %dma_start3A_146 = tpu.memref_slice %arg4[%squeeze3A_136, %dma_start3A_145] : memref<1000000x32xf32, #tpu.memory_space<hbm>> -> memref<1x32xf32, #tpu.memory_space<hbm>>
        tpu.enqueue_dma source(%dma_start3A_146 : memref<1x32xf32, #tpu.memory_space<hbm>>) target(%dma_start3A_144 : memref<1x32xf32, #tpu.memory_space<vmem>>) target_semaphore(%arg15 : memref<!tpu.dma_semaphore, #tpu.memory_space<semaphore_mem>>)
        %slice3A_147 = vector.extract_strided_slice %get3A_41 {offsets = [4], sizes = [1], strides = [1]} : vector<16xi32> to vector<1xi32>
        %squeeze3A_148 = vector.extract %slice3A_147[0] : i32 from vector<1xi32>
        %add3A_149 = arith.constant 4 : i32
        %add3A_150 = arith.addi %mul3A_36, %add3A_149 : i32
        %dma_start3A_151 = arith.constant 0 : i32
        %dma_start3A_152 = tpu.memref_slice %arg11[%add3A_150, %dma_start3A_151] : memref<256x32xf32, #tpu.memory_space<vmem>> -> memref<1x32xf32, #tpu.memory_space<vmem>>
        %dma_start3A_153 = arith.constant 0 : i32
        %dma_start3A_154 = tpu.memref_slice %arg5[%squeeze3A_148, %dma_start3A_153] : memref<1000000x32xf32, #tpu.memory_space<hbm>> -> memref<1x32xf32, #tpu.memory_space<hbm>>
        %dma_start3A_155 = arith.constant 0 : i32
        %dma_start3A_156 = tpu.memref_slice %arg11[%add3A_150, %dma_start3A_155] : memref<256x32xf32, #tpu.memory_space<vmem>> -> memref<1x32xf32, #tpu.memory_space<vmem>>
        %dma_start3A_157 = arith.constant 0 : i32
        %dma_start3A_158 = tpu.memref_slice %arg5[%squeeze3A_148, %dma_start3A_157] : memref<1000000x32xf32, #tpu.memory_space<hbm>> -> memref<1x32xf32, #tpu.memory_space<hbm>>
        tpu.enqueue_dma source(%dma_start3A_158 : memref<1x32xf32, #tpu.memory_space<hbm>>) target(%dma_start3A_156 : memref<1x32xf32, #tpu.memory_space<vmem>>) target_semaphore(%arg16 : memref<!tpu.dma_semaphore, #tpu.memory_space<semaphore_mem>>)
        %slice3A_159 = vector.extract_strided_slice %get3A_38 {offsets = [5], sizes = [1], strides = [1]} : vector<16xi32> to vector<1xi32>
        %squeeze3A_160 = vector.extract %slice3A_159[0] : i32 from vector<1xi32>
        %add3A_161 = arith.constant 5 : i32
        %add3A_162 = arith.addi %mul3A_36, %add3A_161 : i32
        %dma_start3A_163 = arith.constant 0 : i32
        %dma_start3A_164 = tpu.memref_slice %arg10[%add3A_162, %dma_start3A_163] : memref<256x32xf32, #tpu.memory_space<vmem>> -> memref<1x32xf32, #tpu.memory_space<vmem>>
        %dma_start3A_165 = arith.constant 0 : i32
        %dma_start3A_166 = tpu.memref_slice %arg4[%squeeze3A_160, %dma_start3A_165] : memref<1000000x32xf32, #tpu.memory_space<hbm>> -> memref<1x32xf32, #tpu.memory_space<hbm>>
        %dma_start3A_167 = arith.constant 0 : i32
        %dma_start3A_168 = tpu.memref_slice %arg10[%add3A_162, %dma_start3A_167] : memref<256x32xf32, #tpu.memory_space<vmem>> -> memref<1x32xf32, #tpu.memory_space<vmem>>
        %dma_start3A_169 = arith.constant 0 : i32
        %dma_start3A_170 = tpu.memref_slice %arg4[%squeeze3A_160, %dma_start3A_169] : memref<1000000x32xf32, #tpu.memory_space<hbm>> -> memref<1x32xf32, #tpu.memory_space<hbm>>
        tpu.enqueue_dma source(%dma_start3A_170 : memref<1x32xf32, #tpu.memory_space<hbm>>) target(%dma_start3A_168 : memref<1x32xf32, #tpu.memory_space<vmem>>) target_semaphore(%arg15 : memref<!tpu.dma_semaphore, #tpu.memory_space<semaphore_mem>>)
        %slice3A_171 = vector.extract_strided_slice %get3A_41 {offsets = [5], sizes = [1], strides = [1]} : vector<16xi32> to vector<1xi32>
        %squeeze3A_172 = vector.extract %slice3A_171[0] : i32 from vector<1xi32>
        %add3A_173 = arith.constant 5 : i32
        %add3A_174 = arith.addi %mul3A_36, %add3A_173 : i32
        %dma_start3A_175 = arith.constant 0 : i32
        %dma_start3A_176 = tpu.memref_slice %arg11[%add3A_174, %dma_start3A_175] : memref<256x32xf32, #tpu.memory_space<vmem>> -> memref<1x32xf32, #tpu.memory_space<vmem>>
        %dma_start3A_177 = arith.constant 0 : i32
        %dma_start3A_178 = tpu.memref_slice %arg5[%squeeze3A_172, %dma_start3A_177] : memref<1000000x32xf32, #tpu.memory_space<hbm>> -> memref<1x32xf32, #tpu.memory_space<hbm>>
        %dma_start3A_179 = arith.constant 0 : i32
        %dma_start3A_180 = tpu.memref_slice %arg11[%add3A_174, %dma_start3A_179] : memref<256x32xf32, #tpu.memory_space<vmem>> -> memref<1x32xf32, #tpu.memory_space<vmem>>
        %dma_start3A_181 = arith.constant 0 : i32
        %dma_start3A_182 = tpu.memref_slice %arg5[%squeeze3A_172, %dma_start3A_181] : memref<1000000x32xf32, #tpu.memory_space<hbm>> -> memref<1x32xf32, #tpu.memory_space<hbm>>
        tpu.enqueue_dma source(%dma_start3A_182 : memref<1x32xf32, #tpu.memory_space<hbm>>) target(%dma_start3A_180 : memref<1x32xf32, #tpu.memory_space<vmem>>) target_semaphore(%arg16 : memref<!tpu.dma_semaphore, #tpu.memory_space<semaphore_mem>>)
        %slice3A_183 = vector.extract_strided_slice %get3A_38 {offsets = [6], sizes = [1], strides = [1]} : vector<16xi32> to vector<1xi32>
        %squeeze3A_184 = vector.extract %slice3A_183[0] : i32 from vector<1xi32>
        %add3A_185 = arith.constant 6 : i32
        %add3A_186 = arith.addi %mul3A_36, %add3A_185 : i32
        %dma_start3A_187 = arith.constant 0 : i32
        %dma_start3A_188 = tpu.memref_slice %arg10[%add3A_186, %dma_start3A_187] : memref<256x32xf32, #tpu.memory_space<vmem>> -> memref<1x32xf32, #tpu.memory_space<vmem>>
        %dma_start3A_189 = arith.constant 0 : i32
        %dma_start3A_190 = tpu.memref_slice %arg4[%squeeze3A_184, %dma_start3A_189] : memref<1000000x32xf32, #tpu.memory_space<hbm>> -> memref<1x32xf32, #tpu.memory_space<hbm>>
        %dma_start3A_191 = arith.constant 0 : i32
        %dma_start3A_192 = tpu.memref_slice %arg10[%add3A_186, %dma_start3A_191] : memref<256x32xf32, #tpu.memory_space<vmem>> -> memref<1x32xf32, #tpu.memory_space<vmem>>
        %dma_start3A_193 = arith.constant 0 : i32
        %dma_start3A_194 = tpu.memref_slice %arg4[%squeeze3A_184, %dma_start3A_193] : memref<1000000x32xf32, #tpu.memory_space<hbm>> -> memref<1x32xf32, #tpu.memory_space<hbm>>
        tpu.enqueue_dma source(%dma_start3A_194 : memref<1x32xf32, #tpu.memory_space<hbm>>) target(%dma_start3A_192 : memref<1x32xf32, #tpu.memory_space<vmem>>) target_semaphore(%arg15 : memref<!tpu.dma_semaphore, #tpu.memory_space<semaphore_mem>>)
        %slice3A_195 = vector.extract_strided_slice %get3A_41 {offsets = [6], sizes = [1], strides = [1]} : vector<16xi32> to vector<1xi32>
        %squeeze3A_196 = vector.extract %slice3A_195[0] : i32 from vector<1xi32>
        %add3A_197 = arith.constant 6 : i32
        %add3A_198 = arith.addi %mul3A_36, %add3A_197 : i32
        %dma_start3A_199 = arith.constant 0 : i32
        %dma_start3A_200 = tpu.memref_slice %arg11[%add3A_198, %dma_start3A_199] : memref<256x32xf32, #tpu.memory_space<vmem>> -> memref<1x32xf32, #tpu.memory_space<vmem>>
        %dma_start3A_201 = arith.constant 0 : i32
        %dma_start3A_202 = tpu.memref_slice %arg5[%squeeze3A_196, %dma_start3A_201] : memref<1000000x32xf32, #tpu.memory_space<hbm>> -> memref<1x32xf32, #tpu.memory_space<hbm>>
        %dma_start3A_203 = arith.constant 0 : i32
        %dma_start3A_204 = tpu.memref_slice %arg11[%add3A_198, %dma_start3A_203] : memref<256x32xf32, #tpu.memory_space<vmem>> -> memref<1x32xf32, #tpu.memory_space<vmem>>
        %dma_start3A_205 = arith.constant 0 : i32
        %dma_start3A_206 = tpu.memref_slice %arg5[%squeeze3A_196, %dma_start3A_205] : memref<1000000x32xf32, #tpu.memory_space<hbm>> -> memref<1x32xf32, #tpu.memory_space<hbm>>
        tpu.enqueue_dma source(%dma_start3A_206 : memref<1x32xf32, #tpu.memory_space<hbm>>) target(%dma_start3A_204 : memref<1x32xf32, #tpu.memory_space<vmem>>) target_semaphore(%arg16 : memref<!tpu.dma_semaphore, #tpu.memory_space<semaphore_mem>>)
        %slice3A_207 = vector.extract_strided_slice %get3A_38 {offsets = [7], sizes = [1], strides = [1]} : vector<16xi32> to vector<1xi32>
        %squeeze3A_208 = vector.extract %slice3A_207[0] : i32 from vector<1xi32>
        %add3A_209 = arith.constant 7 : i32
        %add3A_210 = arith.addi %mul3A_36, %add3A_209 : i32
        %dma_start3A_211 = arith.constant 0 : i32
        %dma_start3A_212 = tpu.memref_slice %arg10[%add3A_210, %dma_start3A_211] : memref<256x32xf32, #tpu.memory_space<vmem>> -> memref<1x32xf32, #tpu.memory_space<vmem>>
        %dma_start3A_213 = arith.constant 0 : i32
        %dma_start3A_214 = tpu.memref_slice %arg4[%squeeze3A_208, %dma_start3A_213] : memref<1000000x32xf32, #tpu.memory_space<hbm>> -> memref<1x32xf32, #tpu.memory_space<hbm>>
        %dma_start3A_215 = arith.constant 0 : i32
        %dma_start3A_216 = tpu.memref_slice %arg10[%add3A_210, %dma_start3A_215] : memref<256x32xf32, #tpu.memory_space<vmem>> -> memref<1x32xf32, #tpu.memory_space<vmem>>
        %dma_start3A_217 = arith.constant 0 : i32
        %dma_start3A_218 = tpu.memref_slice %arg4[%squeeze3A_208, %dma_start3A_217] : memref<1000000x32xf32, #tpu.memory_space<hbm>> -> memref<1x32xf32, #tpu.memory_space<hbm>>
        tpu.enqueue_dma source(%dma_start3A_218 : memref<1x32xf32, #tpu.memory_space<hbm>>) target(%dma_start3A_216 : memref<1x32xf32, #tpu.memory_space<vmem>>) target_semaphore(%arg15 : memref<!tpu.dma_semaphore, #tpu.memory_space<semaphore_mem>>)
        %slice3A_219 = vector.extract_strided_slice %get3A_41 {offsets = [7], sizes = [1], strides = [1]} : vector<16xi32> to vector<1xi32>
        %squeeze3A_220 = vector.extract %slice3A_219[0] : i32 from vector<1xi32>
        %add3A_221 = arith.constant 7 : i32
        %add3A_222 = arith.addi %mul3A_36, %add3A_221 : i32
        %dma_start3A_223 = arith.constant 0 : i32
        %dma_start3A_224 = tpu.memref_slice %arg11[%add3A_222, %dma_start3A_223] : memref<256x32xf32, #tpu.memory_space<vmem>> -> memref<1x32xf32, #tpu.memory_space<vmem>>
        %dma_start3A_225 = arith.constant 0 : i32
        %dma_start3A_226 = tpu.memref_slice %arg5[%squeeze3A_220, %dma_start3A_225] : memref<1000000x32xf32, #tpu.memory_space<hbm>> -> memref<1x32xf32, #tpu.memory_space<hbm>>
        %dma_start3A_227 = arith.constant 0 : i32
        %dma_start3A_228 = tpu.memref_slice %arg11[%add3A_222, %dma_start3A_227] : memref<256x32xf32, #tpu.memory_space<vmem>> -> memref<1x32xf32, #tpu.memory_space<vmem>>
        %dma_start3A_229 = arith.constant 0 : i32
        %dma_start3A_230 = tpu.memref_slice %arg5[%squeeze3A_220, %dma_start3A_229] : memref<1000000x32xf32, #tpu.memory_space<hbm>> -> memref<1x32xf32, #tpu.memory_space<hbm>>
        tpu.enqueue_dma source(%dma_start3A_230 : memref<1x32xf32, #tpu.memory_space<hbm>>) target(%dma_start3A_228 : memref<1x32xf32, #tpu.memory_space<vmem>>) target_semaphore(%arg16 : memref<!tpu.dma_semaphore, #tpu.memory_space<semaphore_mem>>)
        %slice3A_231 = vector.extract_strided_slice %get3A_38 {offsets = [8], sizes = [1], strides = [1]} : vector<16xi32> to vector<1xi32>
        %squeeze3A_232 = vector.extract %slice3A_231[0] : i32 from vector<1xi32>
        %add3A_233 = arith.constant 8 : i32
        %add3A_234 = arith.addi %mul3A_36, %add3A_233 : i32
        %dma_start3A_235 = arith.constant 0 : i32
        %dma_start3A_236 = tpu.memref_slice %arg10[%add3A_234, %dma_start3A_235] : memref<256x32xf32, #tpu.memory_space<vmem>> -> memref<1x32xf32, #tpu.memory_space<vmem>>
        %dma_start3A_237 = arith.constant 0 : i32
        %dma_start3A_238 = tpu.memref_slice %arg4[%squeeze3A_232, %dma_start3A_237] : memref<1000000x32xf32, #tpu.memory_space<hbm>> -> memref<1x32xf32, #tpu.memory_space<hbm>>
        %dma_start3A_239 = arith.constant 0 : i32
        %dma_start3A_240 = tpu.memref_slice %arg10[%add3A_234, %dma_start3A_239] : memref<256x32xf32, #tpu.memory_space<vmem>> -> memref<1x32xf32, #tpu.memory_space<vmem>>
        %dma_start3A_241 = arith.constant 0 : i32
        %dma_start3A_242 = tpu.memref_slice %arg4[%squeeze3A_232, %dma_start3A_241] : memref<1000000x32xf32, #tpu.memory_space<hbm>> -> memref<1x32xf32, #tpu.memory_space<hbm>>
        tpu.enqueue_dma source(%dma_start3A_242 : memref<1x32xf32, #tpu.memory_space<hbm>>) target(%dma_start3A_240 : memref<1x32xf32, #tpu.memory_space<vmem>>) target_semaphore(%arg15 : memref<!tpu.dma_semaphore, #tpu.memory_space<semaphore_mem>>)
        %slice3A_243 = vector.extract_strided_slice %get3A_41 {offsets = [8], sizes = [1], strides = [1]} : vector<16xi32> to vector<1xi32>
        %squeeze3A_244 = vector.extract %slice3A_243[0] : i32 from vector<1xi32>
        %add3A_245 = arith.constant 8 : i32
        %add3A_246 = arith.addi %mul3A_36, %add3A_245 : i32
        %dma_start3A_247 = arith.constant 0 : i32
        %dma_start3A_248 = tpu.memref_slice %arg11[%add3A_246, %dma_start3A_247] : memref<256x32xf32, #tpu.memory_space<vmem>> -> memref<1x32xf32, #tpu.memory_space<vmem>>
        %dma_start3A_249 = arith.constant 0 : i32
        %dma_start3A_250 = tpu.memref_slice %arg5[%squeeze3A_244, %dma_start3A_249] : memref<1000000x32xf32, #tpu.memory_space<hbm>> -> memref<1x32xf32, #tpu.memory_space<hbm>>
        %dma_start3A_251 = arith.constant 0 : i32
        %dma_start3A_252 = tpu.memref_slice %arg11[%add3A_246, %dma_start3A_251] : memref<256x32xf32, #tpu.memory_space<vmem>> -> memref<1x32xf32, #tpu.memory_space<vmem>>
        %dma_start3A_253 = arith.constant 0 : i32
        %dma_start3A_254 = tpu.memref_slice %arg5[%squeeze3A_244, %dma_start3A_253] : memref<1000000x32xf32, #tpu.memory_space<hbm>> -> memref<1x32xf32, #tpu.memory_space<hbm>>
        tpu.enqueue_dma source(%dma_start3A_254 : memref<1x32xf32, #tpu.memory_space<hbm>>) target(%dma_start3A_252 : memref<1x32xf32, #tpu.memory_space<vmem>>) target_semaphore(%arg16 : memref<!tpu.dma_semaphore, #tpu.memory_space<semaphore_mem>>)
        %slice3A_255 = vector.extract_strided_slice %get3A_38 {offsets = [9], sizes = [1], strides = [1]} : vector<16xi32> to vector<1xi32>
        %squeeze3A_256 = vector.extract %slice3A_255[0] : i32 from vector<1xi32>
        %add3A_257 = arith.constant 9 : i32
        %add3A_258 = arith.addi %mul3A_36, %add3A_257 : i32
        %dma_start3A_259 = arith.constant 0 : i32
        %dma_start3A_260 = tpu.memref_slice %arg10[%add3A_258, %dma_start3A_259] : memref<256x32xf32, #tpu.memory_space<vmem>> -> memref<1x32xf32, #tpu.memory_space<vmem>>
        %dma_start3A_261 = arith.constant 0 : i32
        %dma_start3A_262 = tpu.memref_slice %arg4[%squeeze3A_256, %dma_start3A_261] : memref<1000000x32xf32, #tpu.memory_space<hbm>> -> memref<1x32xf32, #tpu.memory_space<hbm>>
        %dma_start3A_263 = arith.constant 0 : i32
        %dma_start3A_264 = tpu.memref_slice %arg10[%add3A_258, %dma_start3A_263] : memref<256x32xf32, #tpu.memory_space<vmem>> -> memref<1x32xf32, #tpu.memory_space<vmem>>
        %dma_start3A_265 = arith.constant 0 : i32
        %dma_start3A_266 = tpu.memref_slice %arg4[%squeeze3A_256, %dma_start3A_265] : memref<1000000x32xf32, #tpu.memory_space<hbm>> -> memref<1x32xf32, #tpu.memory_space<hbm>>
        tpu.enqueue_dma source(%dma_start3A_266 : memref<1x32xf32, #tpu.memory_space<hbm>>) target(%dma_start3A_264 : memref<1x32xf32, #tpu.memory_space<vmem>>) target_semaphore(%arg15 : memref<!tpu.dma_semaphore, #tpu.memory_space<semaphore_mem>>)
        %slice3A_267 = vector.extract_strided_slice %get3A_41 {offsets = [9], sizes = [1], strides = [1]} : vector<16xi32> to vector<1xi32>
        %squeeze3A_268 = vector.extract %slice3A_267[0] : i32 from vector<1xi32>
        %add3A_269 = arith.constant 9 : i32
        %add3A_270 = arith.addi %mul3A_36, %add3A_269 : i32
        %dma_start3A_271 = arith.constant 0 : i32
        %dma_start3A_272 = tpu.memref_slice %arg11[%add3A_270, %dma_start3A_271] : memref<256x32xf32, #tpu.memory_space<vmem>> -> memref<1x32xf32, #tpu.memory_space<vmem>>
        %dma_start3A_273 = arith.constant 0 : i32
        %dma_start3A_274 = tpu.memref_slice %arg5[%squeeze3A_268, %dma_start3A_273] : memref<1000000x32xf32, #tpu.memory_space<hbm>> -> memref<1x32xf32, #tpu.memory_space<hbm>>
        %dma_start3A_275 = arith.constant 0 : i32
        %dma_start3A_276 = tpu.memref_slice %arg11[%add3A_270, %dma_start3A_275] : memref<256x32xf32, #tpu.memory_space<vmem>> -> memref<1x32xf32, #tpu.memory_space<vmem>>
        %dma_start3A_277 = arith.constant 0 : i32
        %dma_start3A_278 = tpu.memref_slice %arg5[%squeeze3A_268, %dma_start3A_277] : memref<1000000x32xf32, #tpu.memory_space<hbm>> -> memref<1x32xf32, #tpu.memory_space<hbm>>
        tpu.enqueue_dma source(%dma_start3A_278 : memref<1x32xf32, #tpu.memory_space<hbm>>) target(%dma_start3A_276 : memref<1x32xf32, #tpu.memory_space<vmem>>) target_semaphore(%arg16 : memref<!tpu.dma_semaphore, #tpu.memory_space<semaphore_mem>>)
        %slice3A_279 = vector.extract_strided_slice %get3A_38 {offsets = [10], sizes = [1], strides = [1]} : vector<16xi32> to vector<1xi32>
        %squeeze3A_280 = vector.extract %slice3A_279[0] : i32 from vector<1xi32>
        %add3A_281 = arith.constant 10 : i32
        %add3A_282 = arith.addi %mul3A_36, %add3A_281 : i32
        %dma_start3A_283 = arith.constant 0 : i32
        %dma_start3A_284 = tpu.memref_slice %arg10[%add3A_282, %dma_start3A_283] : memref<256x32xf32, #tpu.memory_space<vmem>> -> memref<1x32xf32, #tpu.memory_space<vmem>>
        %dma_start3A_285 = arith.constant 0 : i32
        %dma_start3A_286 = tpu.memref_slice %arg4[%squeeze3A_280, %dma_start3A_285] : memref<1000000x32xf32, #tpu.memory_space<hbm>> -> memref<1x32xf32, #tpu.memory_space<hbm>>
        %dma_start3A_287 = arith.constant 0 : i32
        %dma_start3A_288 = tpu.memref_slice %arg10[%add3A_282, %dma_start3A_287] : memref<256x32xf32, #tpu.memory_space<vmem>> -> memref<1x32xf32, #tpu.memory_space<vmem>>
        %dma_start3A_289 = arith.constant 0 : i32
        %dma_start3A_290 = tpu.memref_slice %arg4[%squeeze3A_280, %dma_start3A_289] : memref<1000000x32xf32, #tpu.memory_space<hbm>> -> memref<1x32xf32, #tpu.memory_space<hbm>>
        tpu.enqueue_dma source(%dma_start3A_290 : memref<1x32xf32, #tpu.memory_space<hbm>>) target(%dma_start3A_288 : memref<1x32xf32, #tpu.memory_space<vmem>>) target_semaphore(%arg15 : memref<!tpu.dma_semaphore, #tpu.memory_space<semaphore_mem>>)
        %slice3A_291 = vector.extract_strided_slice %get3A_41 {offsets = [10], sizes = [1], strides = [1]} : vector<16xi32> to vector<1xi32>
        %squeeze3A_292 = vector.extract %slice3A_291[0] : i32 from vector<1xi32>
        %add3A_293 = arith.constant 10 : i32
        %add3A_294 = arith.addi %mul3A_36, %add3A_293 : i32
        %dma_start3A_295 = arith.constant 0 : i32
        %dma_start3A_296 = tpu.memref_slice %arg11[%add3A_294, %dma_start3A_295] : memref<256x32xf32, #tpu.memory_space<vmem>> -> memref<1x32xf32, #tpu.memory_space<vmem>>
        %dma_start3A_297 = arith.constant 0 : i32
        %dma_start3A_298 = tpu.memref_slice %arg5[%squeeze3A_292, %dma_start3A_297] : memref<1000000x32xf32, #tpu.memory_space<hbm>> -> memref<1x32xf32, #tpu.memory_space<hbm>>
        %dma_start3A_299 = arith.constant 0 : i32
        %dma_start3A_300 = tpu.memref_slice %arg11[%add3A_294, %dma_start3A_299] : memref<256x32xf32, #tpu.memory_space<vmem>> -> memref<1x32xf32, #tpu.memory_space<vmem>>
        %dma_start3A_301 = arith.constant 0 : i32
        %dma_start3A_302 = tpu.memref_slice %arg5[%squeeze3A_292, %dma_start3A_301] : memref<1000000x32xf32, #tpu.memory_space<hbm>> -> memref<1x32xf32, #tpu.memory_space<hbm>>
        tpu.enqueue_dma source(%dma_start3A_302 : memref<1x32xf32, #tpu.memory_space<hbm>>) target(%dma_start3A_300 : memref<1x32xf32, #tpu.memory_space<vmem>>) target_semaphore(%arg16 : memref<!tpu.dma_semaphore, #tpu.memory_space<semaphore_mem>>)
        %slice3A_303 = vector.extract_strided_slice %get3A_38 {offsets = [11], sizes = [1], strides = [1]} : vector<16xi32> to vector<1xi32>
        %squeeze3A_304 = vector.extract %slice3A_303[0] : i32 from vector<1xi32>
        %add3A_305 = arith.constant 11 : i32
        %add3A_306 = arith.addi %mul3A_36, %add3A_305 : i32
        %dma_start3A_307 = arith.constant 0 : i32
        %dma_start3A_308 = tpu.memref_slice %arg10[%add3A_306, %dma_start3A_307] : memref<256x32xf32, #tpu.memory_space<vmem>> -> memref<1x32xf32, #tpu.memory_space<vmem>>
        %dma_start3A_309 = arith.constant 0 : i32
        %dma_start3A_310 = tpu.memref_slice %arg4[%squeeze3A_304, %dma_start3A_309] : memref<1000000x32xf32, #tpu.memory_space<hbm>> -> memref<1x32xf32, #tpu.memory_space<hbm>>
        %dma_start3A_311 = arith.constant 0 : i32
        %dma_start3A_312 = tpu.memref_slice %arg10[%add3A_306, %dma_start3A_311] : memref<256x32xf32, #tpu.memory_space<vmem>> -> memref<1x32xf32, #tpu.memory_space<vmem>>
        %dma_start3A_313 = arith.constant 0 : i32
        %dma_start3A_314 = tpu.memref_slice %arg4[%squeeze3A_304, %dma_start3A_313] : memref<1000000x32xf32, #tpu.memory_space<hbm>> -> memref<1x32xf32, #tpu.memory_space<hbm>>
        tpu.enqueue_dma source(%dma_start3A_314 : memref<1x32xf32, #tpu.memory_space<hbm>>) target(%dma_start3A_312 : memref<1x32xf32, #tpu.memory_space<vmem>>) target_semaphore(%arg15 : memref<!tpu.dma_semaphore, #tpu.memory_space<semaphore_mem>>)
        %slice3A_315 = vector.extract_strided_slice %get3A_41 {offsets = [11], sizes = [1], strides = [1]} : vector<16xi32> to vector<1xi32>
        %squeeze3A_316 = vector.extract %slice3A_315[0] : i32 from vector<1xi32>
        %add3A_317 = arith.constant 11 : i32
        %add3A_318 = arith.addi %mul3A_36, %add3A_317 : i32
        %dma_start3A_319 = arith.constant 0 : i32
        %dma_start3A_320 = tpu.memref_slice %arg11[%add3A_318, %dma_start3A_319] : memref<256x32xf32, #tpu.memory_space<vmem>> -> memref<1x32xf32, #tpu.memory_space<vmem>>
        %dma_start3A_321 = arith.constant 0 : i32
        %dma_start3A_322 = tpu.memref_slice %arg5[%squeeze3A_316, %dma_start3A_321] : memref<1000000x32xf32, #tpu.memory_space<hbm>> -> memref<1x32xf32, #tpu.memory_space<hbm>>
        %dma_start3A_323 = arith.constant 0 : i32
        %dma_start3A_324 = tpu.memref_slice %arg11[%add3A_318, %dma_start3A_323] : memref<256x32xf32, #tpu.memory_space<vmem>> -> memref<1x32xf32, #tpu.memory_space<vmem>>
        %dma_start3A_325 = arith.constant 0 : i32
        %dma_start3A_326 = tpu.memref_slice %arg5[%squeeze3A_316, %dma_start3A_325] : memref<1000000x32xf32, #tpu.memory_space<hbm>> -> memref<1x32xf32, #tpu.memory_space<hbm>>
        tpu.enqueue_dma source(%dma_start3A_326 : memref<1x32xf32, #tpu.memory_space<hbm>>) target(%dma_start3A_324 : memref<1x32xf32, #tpu.memory_space<vmem>>) target_semaphore(%arg16 : memref<!tpu.dma_semaphore, #tpu.memory_space<semaphore_mem>>)
        %slice3A_327 = vector.extract_strided_slice %get3A_38 {offsets = [12], sizes = [1], strides = [1]} : vector<16xi32> to vector<1xi32>
        %squeeze3A_328 = vector.extract %slice3A_327[0] : i32 from vector<1xi32>
        %add3A_329 = arith.constant 12 : i32
        %add3A_330 = arith.addi %mul3A_36, %add3A_329 : i32
        %dma_start3A_331 = arith.constant 0 : i32
        %dma_start3A_332 = tpu.memref_slice %arg10[%add3A_330, %dma_start3A_331] : memref<256x32xf32, #tpu.memory_space<vmem>> -> memref<1x32xf32, #tpu.memory_space<vmem>>
        %dma_start3A_333 = arith.constant 0 : i32
        %dma_start3A_334 = tpu.memref_slice %arg4[%squeeze3A_328, %dma_start3A_333] : memref<1000000x32xf32, #tpu.memory_space<hbm>> -> memref<1x32xf32, #tpu.memory_space<hbm>>
        %dma_start3A_335 = arith.constant 0 : i32
        %dma_start3A_336 = tpu.memref_slice %arg10[%add3A_330, %dma_start3A_335] : memref<256x32xf32, #tpu.memory_space<vmem>> -> memref<1x32xf32, #tpu.memory_space<vmem>>
        %dma_start3A_337 = arith.constant 0 : i32
        %dma_start3A_338 = tpu.memref_slice %arg4[%squeeze3A_328, %dma_start3A_337] : memref<1000000x32xf32, #tpu.memory_space<hbm>> -> memref<1x32xf32, #tpu.memory_space<hbm>>
        tpu.enqueue_dma source(%dma_start3A_338 : memref<1x32xf32, #tpu.memory_space<hbm>>) target(%dma_start3A_336 : memref<1x32xf32, #tpu.memory_space<vmem>>) target_semaphore(%arg15 : memref<!tpu.dma_semaphore, #tpu.memory_space<semaphore_mem>>)
        %slice3A_339 = vector.extract_strided_slice %get3A_41 {offsets = [12], sizes = [1], strides = [1]} : vector<16xi32> to vector<1xi32>
        %squeeze3A_340 = vector.extract %slice3A_339[0] : i32 from vector<1xi32>
        %add3A_341 = arith.constant 12 : i32
        %add3A_342 = arith.addi %mul3A_36, %add3A_341 : i32
        %dma_start3A_343 = arith.constant 0 : i32
        %dma_start3A_344 = tpu.memref_slice %arg11[%add3A_342, %dma_start3A_343] : memref<256x32xf32, #tpu.memory_space<vmem>> -> memref<1x32xf32, #tpu.memory_space<vmem>>
        %dma_start3A_345 = arith.constant 0 : i32
        %dma_start3A_346 = tpu.memref_slice %arg5[%squeeze3A_340, %dma_start3A_345] : memref<1000000x32xf32, #tpu.memory_space<hbm>> -> memref<1x32xf32, #tpu.memory_space<hbm>>
        %dma_start3A_347 = arith.constant 0 : i32
        %dma_start3A_348 = tpu.memref_slice %arg11[%add3A_342, %dma_start3A_347] : memref<256x32xf32, #tpu.memory_space<vmem>> -> memref<1x32xf32, #tpu.memory_space<vmem>>
        %dma_start3A_349 = arith.constant 0 : i32
        %dma_start3A_350 = tpu.memref_slice %arg5[%squeeze3A_340, %dma_start3A_349] : memref<1000000x32xf32, #tpu.memory_space<hbm>> -> memref<1x32xf32, #tpu.memory_space<hbm>>
        tpu.enqueue_dma source(%dma_start3A_350 : memref<1x32xf32, #tpu.memory_space<hbm>>) target(%dma_start3A_348 : memref<1x32xf32, #tpu.memory_space<vmem>>) target_semaphore(%arg16 : memref<!tpu.dma_semaphore, #tpu.memory_space<semaphore_mem>>)
        %slice3A_351 = vector.extract_strided_slice %get3A_38 {offsets = [13], sizes = [1], strides = [1]} : vector<16xi32> to vector<1xi32>
        %squeeze3A_352 = vector.extract %slice3A_351[0] : i32 from vector<1xi32>
        %add3A_353 = arith.constant 13 : i32
        %add3A_354 = arith.addi %mul3A_36, %add3A_353 : i32
        %dma_start3A_355 = arith.constant 0 : i32
        %dma_start3A_356 = tpu.memref_slice %arg10[%add3A_354, %dma_start3A_355] : memref<256x32xf32, #tpu.memory_space<vmem>> -> memref<1x32xf32, #tpu.memory_space<vmem>>
        %dma_start3A_357 = arith.constant 0 : i32
        %dma_start3A_358 = tpu.memref_slice %arg4[%squeeze3A_352, %dma_start3A_357] : memref<1000000x32xf32, #tpu.memory_space<hbm>> -> memref<1x32xf32, #tpu.memory_space<hbm>>
        %dma_start3A_359 = arith.constant 0 : i32
        %dma_start3A_360 = tpu.memref_slice %arg10[%add3A_354, %dma_start3A_359] : memref<256x32xf32, #tpu.memory_space<vmem>> -> memref<1x32xf32, #tpu.memory_space<vmem>>
        %dma_start3A_361 = arith.constant 0 : i32
        %dma_start3A_362 = tpu.memref_slice %arg4[%squeeze3A_352, %dma_start3A_361] : memref<1000000x32xf32, #tpu.memory_space<hbm>> -> memref<1x32xf32, #tpu.memory_space<hbm>>
        tpu.enqueue_dma source(%dma_start3A_362 : memref<1x32xf32, #tpu.memory_space<hbm>>) target(%dma_start3A_360 : memref<1x32xf32, #tpu.memory_space<vmem>>) target_semaphore(%arg15 : memref<!tpu.dma_semaphore, #tpu.memory_space<semaphore_mem>>)
        %slice3A_363 = vector.extract_strided_slice %get3A_41 {offsets = [13], sizes = [1], strides = [1]} : vector<16xi32> to vector<1xi32>
        %squeeze3A_364 = vector.extract %slice3A_363[0] : i32 from vector<1xi32>
        %add3A_365 = arith.constant 13 : i32
        %add3A_366 = arith.addi %mul3A_36, %add3A_365 : i32
        %dma_start3A_367 = arith.constant 0 : i32
        %dma_start3A_368 = tpu.memref_slice %arg11[%add3A_366, %dma_start3A_367] : memref<256x32xf32, #tpu.memory_space<vmem>> -> memref<1x32xf32, #tpu.memory_space<vmem>>
        %dma_start3A_369 = arith.constant 0 : i32
        %dma_start3A_370 = tpu.memref_slice %arg5[%squeeze3A_364, %dma_start3A_369] : memref<1000000x32xf32, #tpu.memory_space<hbm>> -> memref<1x32xf32, #tpu.memory_space<hbm>>
        %dma_start3A_371 = arith.constant 0 : i32
        %dma_start3A_372 = tpu.memref_slice %arg11[%add3A_366, %dma_start3A_371] : memref<256x32xf32, #tpu.memory_space<vmem>> -> memref<1x32xf32, #tpu.memory_space<vmem>>
        %dma_start3A_373 = arith.constant 0 : i32
        %dma_start3A_374 = tpu.memref_slice %arg5[%squeeze3A_364, %dma_start3A_373] : memref<1000000x32xf32, #tpu.memory_space<hbm>> -> memref<1x32xf32, #tpu.memory_space<hbm>>
        tpu.enqueue_dma source(%dma_start3A_374 : memref<1x32xf32, #tpu.memory_space<hbm>>) target(%dma_start3A_372 : memref<1x32xf32, #tpu.memory_space<vmem>>) target_semaphore(%arg16 : memref<!tpu.dma_semaphore, #tpu.memory_space<semaphore_mem>>)
        %slice3A_375 = vector.extract_strided_slice %get3A_38 {offsets = [14], sizes = [1], strides = [1]} : vector<16xi32> to vector<1xi32>
        %squeeze3A_376 = vector.extract %slice3A_375[0] : i32 from vector<1xi32>
        %add3A_377 = arith.constant 14 : i32
        %add3A_378 = arith.addi %mul3A_36, %add3A_377 : i32
        %dma_start3A_379 = arith.constant 0 : i32
        %dma_start3A_380 = tpu.memref_slice %arg10[%add3A_378, %dma_start3A_379] : memref<256x32xf32, #tpu.memory_space<vmem>> -> memref<1x32xf32, #tpu.memory_space<vmem>>
        %dma_start3A_381 = arith.constant 0 : i32
        %dma_start3A_382 = tpu.memref_slice %arg4[%squeeze3A_376, %dma_start3A_381] : memref<1000000x32xf32, #tpu.memory_space<hbm>> -> memref<1x32xf32, #tpu.memory_space<hbm>>
        %dma_start3A_383 = arith.constant 0 : i32
        %dma_start3A_384 = tpu.memref_slice %arg10[%add3A_378, %dma_start3A_383] : memref<256x32xf32, #tpu.memory_space<vmem>> -> memref<1x32xf32, #tpu.memory_space<vmem>>
        %dma_start3A_385 = arith.constant 0 : i32
        %dma_start3A_386 = tpu.memref_slice %arg4[%squeeze3A_376, %dma_start3A_385] : memref<1000000x32xf32, #tpu.memory_space<hbm>> -> memref<1x32xf32, #tpu.memory_space<hbm>>
        tpu.enqueue_dma source(%dma_start3A_386 : memref<1x32xf32, #tpu.memory_space<hbm>>) target(%dma_start3A_384 : memref<1x32xf32, #tpu.memory_space<vmem>>) target_semaphore(%arg15 : memref<!tpu.dma_semaphore, #tpu.memory_space<semaphore_mem>>)
        %slice3A_387 = vector.extract_strided_slice %get3A_41 {offsets = [14], sizes = [1], strides = [1]} : vector<16xi32> to vector<1xi32>
        %squeeze3A_388 = vector.extract %slice3A_387[0] : i32 from vector<1xi32>
        %add3A_389 = arith.constant 14 : i32
        %add3A_390 = arith.addi %mul3A_36, %add3A_389 : i32
        %dma_start3A_391 = arith.constant 0 : i32
        %dma_start3A_392 = tpu.memref_slice %arg11[%add3A_390, %dma_start3A_391] : memref<256x32xf32, #tpu.memory_space<vmem>> -> memref<1x32xf32, #tpu.memory_space<vmem>>
        %dma_start3A_393 = arith.constant 0 : i32
        %dma_start3A_394 = tpu.memref_slice %arg5[%squeeze3A_388, %dma_start3A_393] : memref<1000000x32xf32, #tpu.memory_space<hbm>> -> memref<1x32xf32, #tpu.memory_space<hbm>>
        %dma_start3A_395 = arith.constant 0 : i32
        %dma_start3A_396 = tpu.memref_slice %arg11[%add3A_390, %dma_start3A_395] : memref<256x32xf32, #tpu.memory_space<vmem>> -> memref<1x32xf32, #tpu.memory_space<vmem>>
        %dma_start3A_397 = arith.constant 0 : i32
        %dma_start3A_398 = tpu.memref_slice %arg5[%squeeze3A_388, %dma_start3A_397] : memref<1000000x32xf32, #tpu.memory_space<hbm>> -> memref<1x32xf32, #tpu.memory_space<hbm>>
        tpu.enqueue_dma source(%dma_start3A_398 : memref<1x32xf32, #tpu.memory_space<hbm>>) target(%dma_start3A_396 : memref<1x32xf32, #tpu.memory_space<vmem>>) target_semaphore(%arg16 : memref<!tpu.dma_semaphore, #tpu.memory_space<semaphore_mem>>)
        %slice3A_399 = vector.extract_strided_slice %get3A_38 {offsets = [15], sizes = [1], strides = [1]} : vector<16xi32> to vector<1xi32>
        %squeeze3A_400 = vector.extract %slice3A_399[0] : i32 from vector<1xi32>
        %add3A_401 = arith.constant 15 : i32
        %add3A_402 = arith.addi %mul3A_36, %add3A_401 : i32
        %dma_start3A_403 = arith.constant 0 : i32
        %dma_start3A_404 = tpu.memref_slice %arg10[%add3A_402, %dma_start3A_403] : memref<256x32xf32, #tpu.memory_space<vmem>> -> memref<1x32xf32, #tpu.memory_space<vmem>>
        %dma_start3A_405 = arith.constant 0 : i32
        %dma_start3A_406 = tpu.memref_slice %arg4[%squeeze3A_400, %dma_start3A_405] : memref<1000000x32xf32, #tpu.memory_space<hbm>> -> memref<1x32xf32, #tpu.memory_space<hbm>>
        %dma_start3A_407 = arith.constant 0 : i32
        %dma_start3A_408 = tpu.memref_slice %arg10[%add3A_402, %dma_start3A_407] : memref<256x32xf32, #tpu.memory_space<vmem>> -> memref<1x32xf32, #tpu.memory_space<vmem>>
        %dma_start3A_409 = arith.constant 0 : i32
        %dma_start3A_410 = tpu.memref_slice %arg4[%squeeze3A_400, %dma_start3A_409] : memref<1000000x32xf32, #tpu.memory_space<hbm>> -> memref<1x32xf32, #tpu.memory_space<hbm>>
        tpu.enqueue_dma source(%dma_start3A_410 : memref<1x32xf32, #tpu.memory_space<hbm>>) target(%dma_start3A_408 : memref<1x32xf32, #tpu.memory_space<vmem>>) target_semaphore(%arg15 : memref<!tpu.dma_semaphore, #tpu.memory_space<semaphore_mem>>)
        %slice3A_411 = vector.extract_strided_slice %get3A_41 {offsets = [15], sizes = [1], strides = [1]} : vector<16xi32> to vector<1xi32>
        %squeeze3A_412 = vector.extract %slice3A_411[0] : i32 from vector<1xi32>
        %add3A_413 = arith.constant 15 : i32
        %add3A_414 = arith.addi %mul3A_36, %add3A_413 : i32
        %dma_start3A_415 = arith.constant 0 : i32
        %dma_start3A_416 = tpu.memref_slice %arg11[%add3A_414, %dma_start3A_415] : memref<256x32xf32, #tpu.memory_space<vmem>> -> memref<1x32xf32, #tpu.memory_space<vmem>>
        %dma_start3A_417 = arith.constant 0 : i32
        %dma_start3A_418 = tpu.memref_slice %arg5[%squeeze3A_412, %dma_start3A_417] : memref<1000000x32xf32, #tpu.memory_space<hbm>> -> memref<1x32xf32, #tpu.memory_space<hbm>>
        %dma_start3A_419 = arith.constant 0 : i32
        %dma_start3A_420 = tpu.memref_slice %arg11[%add3A_414, %dma_start3A_419] : memref<256x32xf32, #tpu.memory_space<vmem>> -> memref<1x32xf32, #tpu.memory_space<vmem>>
        %dma_start3A_421 = arith.constant 0 : i32
        %dma_start3A_422 = tpu.memref_slice %arg5[%squeeze3A_412, %dma_start3A_421] : memref<1000000x32xf32, #tpu.memory_space<hbm>> -> memref<1x32xf32, #tpu.memory_space<hbm>>
        tpu.enqueue_dma source(%dma_start3A_422 : memref<1x32xf32, #tpu.memory_space<hbm>>) target(%dma_start3A_420 : memref<1x32xf32, #tpu.memory_space<vmem>>) target_semaphore(%arg16 : memref<!tpu.dma_semaphore, #tpu.memory_space<semaphore_mem>>)
      }
      %scan3A_17 = arith.constant 16 : i32
      %dma_wait3A = arith.constant 0 : i32
      %dma_wait3A_18 = arith.constant 0 : i32
      %dma_wait3A_19 = tpu.memref_slice %arg4[%dma_wait3A, %dma_wait3A_18] : memref<1000000x32xf32, #tpu.memory_space<hbm>> -> memref<256x32xf32, #tpu.memory_space<hbm>>
      %dma_wait3A_20 = arith.constant 0 : i32
      %dma_wait3A_21 = arith.constant 0 : i32
      %dma_wait3A_22 = tpu.memref_slice %arg4[%dma_wait3A_20, %dma_wait3A_21] : memref<1000000x32xf32, #tpu.memory_space<hbm>> -> memref<256x32xf32, #tpu.memory_space<hbm>>
      tpu.wait_dma2 semaphore(%arg15 : memref<!tpu.dma_semaphore, #tpu.memory_space<semaphore_mem>>) src(%dma_wait3A_22 : memref<256x32xf32, #tpu.memory_space<hbm>>) dst(%arg10 : memref<256x32xf32, #tpu.memory_space<vmem>>)
      %dma_wait3A_23 = arith.constant 0 : i32
      %dma_wait3A_24 = arith.constant 0 : i32
      %dma_wait3A_25 = tpu.memref_slice %arg5[%dma_wait3A_23, %dma_wait3A_24] : memref<1000000x32xf32, #tpu.memory_space<hbm>> -> memref<256x32xf32, #tpu.memory_space<hbm>>
      %dma_wait3A_26 = arith.constant 0 : i32
      %dma_wait3A_27 = arith.constant 0 : i32
      %dma_wait3A_28 = tpu.memref_slice %arg5[%dma_wait3A_26, %dma_wait3A_27] : memref<1000000x32xf32, #tpu.memory_space<hbm>> -> memref<256x32xf32, #tpu.memory_space<hbm>>
      tpu.wait_dma2 semaphore(%arg16 : memref<!tpu.dma_semaphore, #tpu.memory_space<semaphore_mem>>) src(%dma_wait3A_28 : memref<256x32xf32, #tpu.memory_space<hbm>>) dst(%arg11 : memref<256x32xf32, #tpu.memory_space<vmem>>)
      %scan3A_29 = arith.constant 0 : i32
      %scan3A_30 = arith.constant 16 : i32
      %scan3A_31 = arith.addi %scan3A_29, %scan3A_30 : i32
      %scan3A_32 = arith.constant 1 : i32
      scf.for %scan3A_34 = %scan3A_29 to %scan3A_31 step %scan3A_32  : i32 {
        %mul3A_35 = arith.constant 16 : i32
        %mul3A_36 = arith.muli %scan3A_34, %mul3A_35 : i32
        %add3A_37 = arith.constant 0 : i32
        %add3A_38 = arith.addi %mul3A_36, %add3A_37 : i32
        %get3A = arith.index_cast %add3A_38 : i32 to index
        %get3A_39 = arith.constant 0 : index
        %get3A_40 = tpu.vector_load %arg10[%get3A, %get3A_39] {strides = array<i32>} : memref<256x32xf32, #tpu.memory_space<vmem>>, vector<16xf32>,
        %get3A_41 = arith.index_cast %add3A_38 : i32 to index
        %get3A_42 = arith.constant 16 : index
        %get3A_43 = tpu.vector_load %arg10[%get3A_41, %get3A_42] {strides = array<i32>} : memref<256x32xf32, #tpu.memory_space<vmem>>, vector<16xf32>,
        %get3A_44 = arith.index_cast %add3A_38 : i32 to index
        %get3A_45 = arith.constant 0 : index
        %get3A_46 = tpu.vector_load %arg11[%get3A_44, %get3A_45] {strides = array<i32>} : memref<256x32xf32, #tpu.memory_space<vmem>>, vector<16xf32>,
        %get3A_47 = arith.index_cast %add3A_38 : i32 to index
        %get3A_48 = arith.constant 16 : index
        %get3A_49 = tpu.vector_load %arg11[%get3A_47, %get3A_48] {strides = array<i32>} : memref<256x32xf32, #tpu.memory_space<vmem>>, vector<16xf32>,
        %mul3A_50 = arith.mulf %get3A_40, %get3A_46 : vector<16xf32>
        %mul3A_51 = arith.mulf %get3A_43, %get3A_49 : vector<16xf32>
        %add3A_52 = arith.addf %mul3A_50, %mul3A_51 : vector<16xf32>
        %add3A_53 = arith.constant 0 : i32
        %add3A_54 = vector.broadcast %add3A_53 : i32 to vector<16xi32>
        %add3A_55 = arith.addi %mul3A_5, %add3A_54 : vector<16xi32>
        tpu.vector_store_idx %arg13[%add3A_55], %add3A_52 : memref<272xf32, #tpu.memory_space<vmem>>[vector<16xi32>], vector<16xf32>,
        %add3A_56 = arith.constant 1 : i32
        %add3A_57 = arith.addi %mul3A_36, %add3A_56 : i32
        %get3A_58 = arith.index_cast %add3A_57 : i32 to index
        %get3A_59 = arith.constant 0 : index
        %get3A_60 = tpu.vector_load %arg10[%get3A_58, %get3A_59] {strides = array<i32>} : memref<256x32xf32, #tpu.memory_space<vmem>>, vector<16xf32>,
        %get3A_61 = arith.index_cast %add3A_57 : i32 to index
        %get3A_62 = arith.constant 16 : index
        %get3A_63 = tpu.vector_load %arg10[%get3A_61, %get3A_62] {strides = array<i32>} : memref<256x32xf32, #tpu.memory_space<vmem>>, vector<16xf32>,
        %get3A_64 = arith.index_cast %add3A_57 : i32 to index
        %get3A_65 = arith.constant 0 : index
        %get3A_66 = tpu.vector_load %arg11[%get3A_64, %get3A_65] {strides = array<i32>} : memref<256x32xf32, #tpu.memory_space<vmem>>, vector<16xf32>,
        %get3A_67 = arith.index_cast %add3A_57 : i32 to index
        %get3A_68 = arith.constant 16 : index
        %get3A_69 = tpu.vector_load %arg11[%get3A_67, %get3A_68] {strides = array<i32>} : memref<256x32xf32, #tpu.memory_space<vmem>>, vector<16xf32>,
        %mul3A_70 = arith.mulf %get3A_60, %get3A_66 : vector<16xf32>
        %mul3A_71 = arith.mulf %get3A_63, %get3A_69 : vector<16xf32>
        %add3A_72 = arith.addf %mul3A_70, %mul3A_71 : vector<16xf32>
        %add3A_73 = arith.constant 1 : i32
        %add3A_74 = vector.broadcast %add3A_73 : i32 to vector<16xi32>
        %add3A_75 = arith.addi %mul3A_5, %add3A_74 : vector<16xi32>
        tpu.vector_store_idx %arg13[%add3A_75], %add3A_72 : memref<272xf32, #tpu.memory_space<vmem>>[vector<16xi32>], vector<16xf32>,
        %add3A_76 = arith.constant 2 : i32
        %add3A_77 = arith.addi %mul3A_36, %add3A_76 : i32
        %get3A_78 = arith.index_cast %add3A_77 : i32 to index
        %get3A_79 = arith.constant 0 : index
        %get3A_80 = tpu.vector_load %arg10[%get3A_78, %get3A_79] {strides = array<i32>} : memref<256x32xf32, #tpu.memory_space<vmem>>, vector<16xf32>,
        %get3A_81 = arith.index_cast %add3A_77 : i32 to index
        %get3A_82 = arith.constant 16 : index
        %get3A_83 = tpu.vector_load %arg10[%get3A_81, %get3A_82] {strides = array<i32>} : memref<256x32xf32, #tpu.memory_space<vmem>>, vector<16xf32>,
        %get3A_84 = arith.index_cast %add3A_77 : i32 to index
        %get3A_85 = arith.constant 0 : index
        %get3A_86 = tpu.vector_load %arg11[%get3A_84, %get3A_85] {strides = array<i32>} : memref<256x32xf32, #tpu.memory_space<vmem>>, vector<16xf32>,
        %get3A_87 = arith.index_cast %add3A_77 : i32 to index
        %get3A_88 = arith.constant 16 : index
        %get3A_89 = tpu.vector_load %arg11[%get3A_87, %get3A_88] {strides = array<i32>} : memref<256x32xf32, #tpu.memory_space<vmem>>, vector<16xf32>,
        %mul3A_90 = arith.mulf %get3A_80, %get3A_86 : vector<16xf32>
        %mul3A_91 = arith.mulf %get3A_83, %get3A_89 : vector<16xf32>
        %add3A_92 = arith.addf %mul3A_90, %mul3A_91 : vector<16xf32>
        %add3A_93 = arith.constant 2 : i32
        %add3A_94 = vector.broadcast %add3A_93 : i32 to vector<16xi32>
        %add3A_95 = arith.addi %mul3A_5, %add3A_94 : vector<16xi32>
        tpu.vector_store_idx %arg13[%add3A_95], %add3A_92 : memref<272xf32, #tpu.memory_space<vmem>>[vector<16xi32>], vector<16xf32>,
        %add3A_96 = arith.constant 3 : i32
        %add3A_97 = arith.addi %mul3A_36, %add3A_96 : i32
        %get3A_98 = arith.index_cast %add3A_97 : i32 to index
        %get3A_99 = arith.constant 0 : index
        %get3A_100 = tpu.vector_load %arg10[%get3A_98, %get3A_99] {strides = array<i32>} : memref<256x32xf32, #tpu.memory_space<vmem>>, vector<16xf32>,
        %get3A_101 = arith.index_cast %add3A_97 : i32 to index
        %get3A_102 = arith.constant 16 : index
        %get3A_103 = tpu.vector_load %arg10[%get3A_101, %get3A_102] {strides = array<i32>} : memref<256x32xf32, #tpu.memory_space<vmem>>, vector<16xf32>,
        %get3A_104 = arith.index_cast %add3A_97 : i32 to index
        %get3A_105 = arith.constant 0 : index
        %get3A_106 = tpu.vector_load %arg11[%get3A_104, %get3A_105] {strides = array<i32>} : memref<256x32xf32, #tpu.memory_space<vmem>>, vector<16xf32>,
        %get3A_107 = arith.index_cast %add3A_97 : i32 to index
        %get3A_108 = arith.constant 16 : index
        %get3A_109 = tpu.vector_load %arg11[%get3A_107, %get3A_108] {strides = array<i32>} : memref<256x32xf32, #tpu.memory_space<vmem>>, vector<16xf32>,
        %mul3A_110 = arith.mulf %get3A_100, %get3A_106 : vector<16xf32>
        %mul3A_111 = arith.mulf %get3A_103, %get3A_109 : vector<16xf32>
        %add3A_112 = arith.addf %mul3A_110, %mul3A_111 : vector<16xf32>
        %add3A_113 = arith.constant 3 : i32
        %add3A_114 = vector.broadcast %add3A_113 : i32 to vector<16xi32>
        %add3A_115 = arith.addi %mul3A_5, %add3A_114 : vector<16xi32>
        tpu.vector_store_idx %arg13[%add3A_115], %add3A_112 : memref<272xf32, #tpu.memory_space<vmem>>[vector<16xi32>], vector<16xf32>,
        %add3A_116 = arith.constant 4 : i32
        %add3A_117 = arith.addi %mul3A_36, %add3A_116 : i32
        %get3A_118 = arith.index_cast %add3A_117 : i32 to index
        %get3A_119 = arith.constant 0 : index
        %get3A_120 = tpu.vector_load %arg10[%get3A_118, %get3A_119] {strides = array<i32>} : memref<256x32xf32, #tpu.memory_space<vmem>>, vector<16xf32>,
        %get3A_121 = arith.index_cast %add3A_117 : i32 to index
        %get3A_122 = arith.constant 16 : index
        %get3A_123 = tpu.vector_load %arg10[%get3A_121, %get3A_122] {strides = array<i32>} : memref<256x32xf32, #tpu.memory_space<vmem>>, vector<16xf32>,
        %get3A_124 = arith.index_cast %add3A_117 : i32 to index
        %get3A_125 = arith.constant 0 : index
        %get3A_126 = tpu.vector_load %arg11[%get3A_124, %get3A_125] {strides = array<i32>} : memref<256x32xf32, #tpu.memory_space<vmem>>, vector<16xf32>,
        %get3A_127 = arith.index_cast %add3A_117 : i32 to index
        %get3A_128 = arith.constant 16 : index
        %get3A_129 = tpu.vector_load %arg11[%get3A_127, %get3A_128] {strides = array<i32>} : memref<256x32xf32, #tpu.memory_space<vmem>>, vector<16xf32>,
        %mul3A_130 = arith.mulf %get3A_120, %get3A_126 : vector<16xf32>
        %mul3A_131 = arith.mulf %get3A_123, %get3A_129 : vector<16xf32>
        %add3A_132 = arith.addf %mul3A_130, %mul3A_131 : vector<16xf32>
        %add3A_133 = arith.constant 4 : i32
        %add3A_134 = vector.broadcast %add3A_133 : i32 to vector<16xi32>
        %add3A_135 = arith.addi %mul3A_5, %add3A_134 : vector<16xi32>
        tpu.vector_store_idx %arg13[%add3A_135], %add3A_132 : memref<272xf32, #tpu.memory_space<vmem>>[vector<16xi32>], vector<16xf32>,
        %add3A_136 = arith.constant 5 : i32
        %add3A_137 = arith.addi %mul3A_36, %add3A_136 : i32
        %get3A_138 = arith.index_cast %add3A_137 : i32 to index
        %get3A_139 = arith.constant 0 : index
        %get3A_140 = tpu.vector_load %arg10[%get3A_138, %get3A_139] {strides = array<i32>} : memref<256x32xf32, #tpu.memory_space<vmem>>, vector<16xf32>,
        %get3A_141 = arith.index_cast %add3A_137 : i32 to index
        %get3A_142 = arith.constant 16 : index
        %get3A_143 = tpu.vector_load %arg10[%get3A_141, %get3A_142] {strides = array<i32>} : memref<256x32xf32, #tpu.memory_space<vmem>>, vector<16xf32>,
        %get3A_144 = arith.index_cast %add3A_137 : i32 to index
        %get3A_145 = arith.constant 0 : index
        %get3A_146 = tpu.vector_load %arg11[%get3A_144, %get3A_145] {strides = array<i32>} : memref<256x32xf32, #tpu.memory_space<vmem>>, vector<16xf32>,
        %get3A_147 = arith.index_cast %add3A_137 : i32 to index
        %get3A_148 = arith.constant 16 : index
        %get3A_149 = tpu.vector_load %arg11[%get3A_147, %get3A_148] {strides = array<i32>} : memref<256x32xf32, #tpu.memory_space<vmem>>, vector<16xf32>,
        %mul3A_150 = arith.mulf %get3A_140, %get3A_146 : vector<16xf32>
        %mul3A_151 = arith.mulf %get3A_143, %get3A_149 : vector<16xf32>
        %add3A_152 = arith.addf %mul3A_150, %mul3A_151 : vector<16xf32>
        %add3A_153 = arith.constant 5 : i32
        %add3A_154 = vector.broadcast %add3A_153 : i32 to vector<16xi32>
        %add3A_155 = arith.addi %mul3A_5, %add3A_154 : vector<16xi32>
        tpu.vector_store_idx %arg13[%add3A_155], %add3A_152 : memref<272xf32, #tpu.memory_space<vmem>>[vector<16xi32>], vector<16xf32>,
        %add3A_156 = arith.constant 6 : i32
        %add3A_157 = arith.addi %mul3A_36, %add3A_156 : i32
        %get3A_158 = arith.index_cast %add3A_157 : i32 to index
        %get3A_159 = arith.constant 0 : index
        %get3A_160 = tpu.vector_load %arg10[%get3A_158, %get3A_159] {strides = array<i32>} : memref<256x32xf32, #tpu.memory_space<vmem>>, vector<16xf32>,
        %get3A_161 = arith.index_cast %add3A_157 : i32 to index
        %get3A_162 = arith.constant 16 : index
        %get3A_163 = tpu.vector_load %arg10[%get3A_161, %get3A_162] {strides = array<i32>} : memref<256x32xf32, #tpu.memory_space<vmem>>, vector<16xf32>,
        %get3A_164 = arith.index_cast %add3A_157 : i32 to index
        %get3A_165 = arith.constant 0 : index
        %get3A_166 = tpu.vector_load %arg11[%get3A_164, %get3A_165] {strides = array<i32>} : memref<256x32xf32, #tpu.memory_space<vmem>>, vector<16xf32>,
        %get3A_167 = arith.index_cast %add3A_157 : i32 to index
        %get3A_168 = arith.constant 16 : index
        %get3A_169 = tpu.vector_load %arg11[%get3A_167, %get3A_168] {strides = array<i32>} : memref<256x32xf32, #tpu.memory_space<vmem>>, vector<16xf32>,
        %mul3A_170 = arith.mulf %get3A_160, %get3A_166 : vector<16xf32>
        %mul3A_171 = arith.mulf %get3A_163, %get3A_169 : vector<16xf32>
        %add3A_172 = arith.addf %mul3A_170, %mul3A_171 : vector<16xf32>
        %add3A_173 = arith.constant 6 : i32
        %add3A_174 = vector.broadcast %add3A_173 : i32 to vector<16xi32>
        %add3A_175 = arith.addi %mul3A_5, %add3A_174 : vector<16xi32>
        tpu.vector_store_idx %arg13[%add3A_175], %add3A_172 : memref<272xf32, #tpu.memory_space<vmem>>[vector<16xi32>], vector<16xf32>,
        %add3A_176 = arith.constant 7 : i32
        %add3A_177 = arith.addi %mul3A_36, %add3A_176 : i32
        %get3A_178 = arith.index_cast %add3A_177 : i32 to index
        %get3A_179 = arith.constant 0 : index
        %get3A_180 = tpu.vector_load %arg10[%get3A_178, %get3A_179] {strides = array<i32>} : memref<256x32xf32, #tpu.memory_space<vmem>>, vector<16xf32>,
        %get3A_181 = arith.index_cast %add3A_177 : i32 to index
        %get3A_182 = arith.constant 16 : index
        %get3A_183 = tpu.vector_load %arg10[%get3A_181, %get3A_182] {strides = array<i32>} : memref<256x32xf32, #tpu.memory_space<vmem>>, vector<16xf32>,
        %get3A_184 = arith.index_cast %add3A_177 : i32 to index
        %get3A_185 = arith.constant 0 : index
        %get3A_186 = tpu.vector_load %arg11[%get3A_184, %get3A_185] {strides = array<i32>} : memref<256x32xf32, #tpu.memory_space<vmem>>, vector<16xf32>,
        %get3A_187 = arith.index_cast %add3A_177 : i32 to index
        %get3A_188 = arith.constant 16 : index
        %get3A_189 = tpu.vector_load %arg11[%get3A_187, %get3A_188] {strides = array<i32>} : memref<256x32xf32, #tpu.memory_space<vmem>>, vector<16xf32>,
        %mul3A_190 = arith.mulf %get3A_180, %get3A_186 : vector<16xf32>
        %mul3A_191 = arith.mulf %get3A_183, %get3A_189 : vector<16xf32>
        %add3A_192 = arith.addf %mul3A_190, %mul3A_191 : vector<16xf32>
        %add3A_193 = arith.constant 7 : i32
        %add3A_194 = vector.broadcast %add3A_193 : i32 to vector<16xi32>
        %add3A_195 = arith.addi %mul3A_5, %add3A_194 : vector<16xi32>
        tpu.vector_store_idx %arg13[%add3A_195], %add3A_192 : memref<272xf32, #tpu.memory_space<vmem>>[vector<16xi32>], vector<16xf32>,
        %add3A_196 = arith.constant 8 : i32
        %add3A_197 = arith.addi %mul3A_36, %add3A_196 : i32
        %get3A_198 = arith.index_cast %add3A_197 : i32 to index
        %get3A_199 = arith.constant 0 : index
        %get3A_200 = tpu.vector_load %arg10[%get3A_198, %get3A_199] {strides = array<i32>} : memref<256x32xf32, #tpu.memory_space<vmem>>, vector<16xf32>,
        %get3A_201 = arith.index_cast %add3A_197 : i32 to index
        %get3A_202 = arith.constant 16 : index
        %get3A_203 = tpu.vector_load %arg10[%get3A_201, %get3A_202] {strides = array<i32>} : memref<256x32xf32, #tpu.memory_space<vmem>>, vector<16xf32>,
        %get3A_204 = arith.index_cast %add3A_197 : i32 to index
        %get3A_205 = arith.constant 0 : index
        %get3A_206 = tpu.vector_load %arg11[%get3A_204, %get3A_205] {strides = array<i32>} : memref<256x32xf32, #tpu.memory_space<vmem>>, vector<16xf32>,
        %get3A_207 = arith.index_cast %add3A_197 : i32 to index
        %get3A_208 = arith.constant 16 : index
        %get3A_209 = tpu.vector_load %arg11[%get3A_207, %get3A_208] {strides = array<i32>} : memref<256x32xf32, #tpu.memory_space<vmem>>, vector<16xf32>,
        %mul3A_210 = arith.mulf %get3A_200, %get3A_206 : vector<16xf32>
        %mul3A_211 = arith.mulf %get3A_203, %get3A_209 : vector<16xf32>
        %add3A_212 = arith.addf %mul3A_210, %mul3A_211 : vector<16xf32>
        %add3A_213 = arith.constant 8 : i32
        %add3A_214 = vector.broadcast %add3A_213 : i32 to vector<16xi32>
        %add3A_215 = arith.addi %mul3A_5, %add3A_214 : vector<16xi32>
        tpu.vector_store_idx %arg13[%add3A_215], %add3A_212 : memref<272xf32, #tpu.memory_space<vmem>>[vector<16xi32>], vector<16xf32>,
        %add3A_216 = arith.constant 9 : i32
        %add3A_217 = arith.addi %mul3A_36, %add3A_216 : i32
        %get3A_218 = arith.index_cast %add3A_217 : i32 to index
        %get3A_219 = arith.constant 0 : index
        %get3A_220 = tpu.vector_load %arg10[%get3A_218, %get3A_219] {strides = array<i32>} : memref<256x32xf32, #tpu.memory_space<vmem>>, vector<16xf32>,
        %get3A_221 = arith.index_cast %add3A_217 : i32 to index
        %get3A_222 = arith.constant 16 : index
        %get3A_223 = tpu.vector_load %arg10[%get3A_221, %get3A_222] {strides = array<i32>} : memref<256x32xf32, #tpu.memory_space<vmem>>, vector<16xf32>,
        %get3A_224 = arith.index_cast %add3A_217 : i32 to index
        %get3A_225 = arith.constant 0 : index
        %get3A_226 = tpu.vector_load %arg11[%get3A_224, %get3A_225] {strides = array<i32>} : memref<256x32xf32, #tpu.memory_space<vmem>>, vector<16xf32>,
        %get3A_227 = arith.index_cast %add3A_217 : i32 to index
        %get3A_228 = arith.constant 16 : index
        %get3A_229 = tpu.vector_load %arg11[%get3A_227, %get3A_228] {strides = array<i32>} : memref<256x32xf32, #tpu.memory_space<vmem>>, vector<16xf32>,
        %mul3A_230 = arith.mulf %get3A_220, %get3A_226 : vector<16xf32>
        %mul3A_231 = arith.mulf %get3A_223, %get3A_229 : vector<16xf32>
        %add3A_232 = arith.addf %mul3A_230, %mul3A_231 : vector<16xf32>
        %add3A_233 = arith.constant 9 : i32
        %add3A_234 = vector.broadcast %add3A_233 : i32 to vector<16xi32>
        %add3A_235 = arith.addi %mul3A_5, %add3A_234 : vector<16xi32>
        tpu.vector_store_idx %arg13[%add3A_235], %add3A_232 : memref<272xf32, #tpu.memory_space<vmem>>[vector<16xi32>], vector<16xf32>,
        %add3A_236 = arith.constant 10 : i32
        %add3A_237 = arith.addi %mul3A_36, %add3A_236 : i32
        %get3A_238 = arith.index_cast %add3A_237 : i32 to index
        %get3A_239 = arith.constant 0 : index
        %get3A_240 = tpu.vector_load %arg10[%get3A_238, %get3A_239] {strides = array<i32>} : memref<256x32xf32, #tpu.memory_space<vmem>>, vector<16xf32>,
        %get3A_241 = arith.index_cast %add3A_237 : i32 to index
        %get3A_242 = arith.constant 16 : index
        %get3A_243 = tpu.vector_load %arg10[%get3A_241, %get3A_242] {strides = array<i32>} : memref<256x32xf32, #tpu.memory_space<vmem>>, vector<16xf32>,
        %get3A_244 = arith.index_cast %add3A_237 : i32 to index
        %get3A_245 = arith.constant 0 : index
        %get3A_246 = tpu.vector_load %arg11[%get3A_244, %get3A_245] {strides = array<i32>} : memref<256x32xf32, #tpu.memory_space<vmem>>, vector<16xf32>,
        %get3A_247 = arith.index_cast %add3A_237 : i32 to index
        %get3A_248 = arith.constant 16 : index
        %get3A_249 = tpu.vector_load %arg11[%get3A_247, %get3A_248] {strides = array<i32>} : memref<256x32xf32, #tpu.memory_space<vmem>>, vector<16xf32>,
        %mul3A_250 = arith.mulf %get3A_240, %get3A_246 : vector<16xf32>
        %mul3A_251 = arith.mulf %get3A_243, %get3A_249 : vector<16xf32>
        %add3A_252 = arith.addf %mul3A_250, %mul3A_251 : vector<16xf32>
        %add3A_253 = arith.constant 10 : i32
        %add3A_254 = vector.broadcast %add3A_253 : i32 to vector<16xi32>
        %add3A_255 = arith.addi %mul3A_5, %add3A_254 : vector<16xi32>
        tpu.vector_store_idx %arg13[%add3A_255], %add3A_252 : memref<272xf32, #tpu.memory_space<vmem>>[vector<16xi32>], vector<16xf32>,
        %add3A_256 = arith.constant 11 : i32
        %add3A_257 = arith.addi %mul3A_36, %add3A_256 : i32
        %get3A_258 = arith.index_cast %add3A_257 : i32 to index
        %get3A_259 = arith.constant 0 : index
        %get3A_260 = tpu.vector_load %arg10[%get3A_258, %get3A_259] {strides = array<i32>} : memref<256x32xf32, #tpu.memory_space<vmem>>, vector<16xf32>,
        %get3A_261 = arith.index_cast %add3A_257 : i32 to index
        %get3A_262 = arith.constant 16 : index
        %get3A_263 = tpu.vector_load %arg10[%get3A_261, %get3A_262] {strides = array<i32>} : memref<256x32xf32, #tpu.memory_space<vmem>>, vector<16xf32>,
        %get3A_264 = arith.index_cast %add3A_257 : i32 to index
        %get3A_265 = arith.constant 0 : index
        %get3A_266 = tpu.vector_load %arg11[%get3A_264, %get3A_265] {strides = array<i32>} : memref<256x32xf32, #tpu.memory_space<vmem>>, vector<16xf32>,
        %get3A_267 = arith.index_cast %add3A_257 : i32 to index
        %get3A_268 = arith.constant 16 : index
        %get3A_269 = tpu.vector_load %arg11[%get3A_267, %get3A_268] {strides = array<i32>} : memref<256x32xf32, #tpu.memory_space<vmem>>, vector<16xf32>,
        %mul3A_270 = arith.mulf %get3A_260, %get3A_266 : vector<16xf32>
        %mul3A_271 = arith.mulf %get3A_263, %get3A_269 : vector<16xf32>
        %add3A_272 = arith.addf %mul3A_270, %mul3A_271 : vector<16xf32>
        %add3A_273 = arith.constant 11 : i32
        %add3A_274 = vector.broadcast %add3A_273 : i32 to vector<16xi32>
        %add3A_275 = arith.addi %mul3A_5, %add3A_274 : vector<16xi32>
        tpu.vector_store_idx %arg13[%add3A_275], %add3A_272 : memref<272xf32, #tpu.memory_space<vmem>>[vector<16xi32>], vector<16xf32>,
        %add3A_276 = arith.constant 12 : i32
        %add3A_277 = arith.addi %mul3A_36, %add3A_276 : i32
        %get3A_278 = arith.index_cast %add3A_277 : i32 to index
        %get3A_279 = arith.constant 0 : index
        %get3A_280 = tpu.vector_load %arg10[%get3A_278, %get3A_279] {strides = array<i32>} : memref<256x32xf32, #tpu.memory_space<vmem>>, vector<16xf32>,
        %get3A_281 = arith.index_cast %add3A_277 : i32 to index
        %get3A_282 = arith.constant 16 : index
        %get3A_283 = tpu.vector_load %arg10[%get3A_281, %get3A_282] {strides = array<i32>} : memref<256x32xf32, #tpu.memory_space<vmem>>, vector<16xf32>,
        %get3A_284 = arith.index_cast %add3A_277 : i32 to index
        %get3A_285 = arith.constant 0 : index
        %get3A_286 = tpu.vector_load %arg11[%get3A_284, %get3A_285] {strides = array<i32>} : memref<256x32xf32, #tpu.memory_space<vmem>>, vector<16xf32>,
        %get3A_287 = arith.index_cast %add3A_277 : i32 to index
        %get3A_288 = arith.constant 16 : index
        %get3A_289 = tpu.vector_load %arg11[%get3A_287, %get3A_288] {strides = array<i32>} : memref<256x32xf32, #tpu.memory_space<vmem>>, vector<16xf32>,
        %mul3A_290 = arith.mulf %get3A_280, %get3A_286 : vector<16xf32>
        %mul3A_291 = arith.mulf %get3A_283, %get3A_289 : vector<16xf32>
        %add3A_292 = arith.addf %mul3A_290, %mul3A_291 : vector<16xf32>
        %add3A_293 = arith.constant 12 : i32
        %add3A_294 = vector.broadcast %add3A_293 : i32 to vector<16xi32>
        %add3A_295 = arith.addi %mul3A_5, %add3A_294 : vector<16xi32>
        tpu.vector_store_idx %arg13[%add3A_295], %add3A_292 : memref<272xf32, #tpu.memory_space<vmem>>[vector<16xi32>], vector<16xf32>,
        %add3A_296 = arith.constant 13 : i32
        %add3A_297 = arith.addi %mul3A_36, %add3A_296 : i32
        %get3A_298 = arith.index_cast %add3A_297 : i32 to index
        %get3A_299 = arith.constant 0 : index
        %get3A_300 = tpu.vector_load %arg10[%get3A_298, %get3A_299] {strides = array<i32>} : memref<256x32xf32, #tpu.memory_space<vmem>>, vector<16xf32>,
        %get3A_301 = arith.index_cast %add3A_297 : i32 to index
        %get3A_302 = arith.constant 16 : index
        %get3A_303 = tpu.vector_load %arg10[%get3A_301, %get3A_302] {strides = array<i32>} : memref<256x32xf32, #tpu.memory_space<vmem>>, vector<16xf32>,
        %get3A_304 = arith.index_cast %add3A_297 : i32 to index
        %get3A_305 = arith.constant 0 : index
        %get3A_306 = tpu.vector_load %arg11[%get3A_304, %get3A_305] {strides = array<i32>} : memref<256x32xf32, #tpu.memory_space<vmem>>, vector<16xf32>,
        %get3A_307 = arith.index_cast %add3A_297 : i32 to index
        %get3A_308 = arith.constant 16 : index
        %get3A_309 = tpu.vector_load %arg11[%get3A_307, %get3A_308] {strides = array<i32>} : memref<256x32xf32, #tpu.memory_space<vmem>>, vector<16xf32>,
        %mul3A_310 = arith.mulf %get3A_300, %get3A_306 : vector<16xf32>
        %mul3A_311 = arith.mulf %get3A_303, %get3A_309 : vector<16xf32>
        %add3A_312 = arith.addf %mul3A_310, %mul3A_311 : vector<16xf32>
        %add3A_313 = arith.constant 13 : i32
        %add3A_314 = vector.broadcast %add3A_313 : i32 to vector<16xi32>
        %add3A_315 = arith.addi %mul3A_5, %add3A_314 : vector<16xi32>
        tpu.vector_store_idx %arg13[%add3A_315], %add3A_312 : memref<272xf32, #tpu.memory_space<vmem>>[vector<16xi32>], vector<16xf32>,
        %add3A_316 = arith.constant 14 : i32
        %add3A_317 = arith.addi %mul3A_36, %add3A_316 : i32
        %get3A_318 = arith.index_cast %add3A_317 : i32 to index
        %get3A_319 = arith.constant 0 : index
        %get3A_320 = tpu.vector_load %arg10[%get3A_318, %get3A_319] {strides = array<i32>} : memref<256x32xf32, #tpu.memory_space<vmem>>, vector<16xf32>,
        %get3A_321 = arith.index_cast %add3A_317 : i32 to index
        %get3A_322 = arith.constant 16 : index
        %get3A_323 = tpu.vector_load %arg10[%get3A_321, %get3A_322] {strides = array<i32>} : memref<256x32xf32, #tpu.memory_space<vmem>>, vector<16xf32>,
        %get3A_324 = arith.index_cast %add3A_317 : i32 to index
        %get3A_325 = arith.constant 0 : index
        %get3A_326 = tpu.vector_load %arg11[%get3A_324, %get3A_325] {strides = array<i32>} : memref<256x32xf32, #tpu.memory_space<vmem>>, vector<16xf32>,
        %get3A_327 = arith.index_cast %add3A_317 : i32 to index
        %get3A_328 = arith.constant 16 : index
        %get3A_329 = tpu.vector_load %arg11[%get3A_327, %get3A_328] {strides = array<i32>} : memref<256x32xf32, #tpu.memory_space<vmem>>, vector<16xf32>,
        %mul3A_330 = arith.mulf %get3A_320, %get3A_326 : vector<16xf32>
        %mul3A_331 = arith.mulf %get3A_323, %get3A_329 : vector<16xf32>
        %add3A_332 = arith.addf %mul3A_330, %mul3A_331 : vector<16xf32>
        %add3A_333 = arith.constant 14 : i32
        %add3A_334 = vector.broadcast %add3A_333 : i32 to vector<16xi32>
        %add3A_335 = arith.addi %mul3A_5, %add3A_334 : vector<16xi32>
        tpu.vector_store_idx %arg13[%add3A_335], %add3A_332 : memref<272xf32, #tpu.memory_space<vmem>>[vector<16xi32>], vector<16xf32>,
        %add3A_336 = arith.constant 15 : i32
        %add3A_337 = arith.addi %mul3A_36, %add3A_336 : i32
        %get3A_338 = arith.index_cast %add3A_337 : i32 to index
        %get3A_339 = arith.constant 0 : index
        %get3A_340 = tpu.vector_load %arg10[%get3A_338, %get3A_339] {strides = array<i32>} : memref<256x32xf32, #tpu.memory_space<vmem>>, vector<16xf32>,
        %get3A_341 = arith.index_cast %add3A_337 : i32 to index
        %get3A_342 = arith.constant 16 : index
        %get3A_343 = tpu.vector_load %arg10[%get3A_341, %get3A_342] {strides = array<i32>} : memref<256x32xf32, #tpu.memory_space<vmem>>, vector<16xf32>,
        %get3A_344 = arith.index_cast %add3A_337 : i32 to index
        %get3A_345 = arith.constant 0 : index
        %get3A_346 = tpu.vector_load %arg11[%get3A_344, %get3A_345] {strides = array<i32>} : memref<256x32xf32, #tpu.memory_space<vmem>>, vector<16xf32>,
        %get3A_347 = arith.index_cast %add3A_337 : i32 to index
        %get3A_348 = arith.constant 16 : index
        %get3A_349 = tpu.vector_load %arg11[%get3A_347, %get3A_348] {strides = array<i32>} : memref<256x32xf32, #tpu.memory_space<vmem>>, vector<16xf32>,
        %mul3A_350 = arith.mulf %get3A_340, %get3A_346 : vector<16xf32>
        %mul3A_351 = arith.mulf %get3A_343, %get3A_349 : vector<16xf32>
        %add3A_352 = arith.addf %mul3A_350, %mul3A_351 : vector<16xf32>
        %add3A_353 = arith.constant 15 : i32
        %add3A_354 = vector.broadcast %add3A_353 : i32 to vector<16xi32>
        %add3A_355 = arith.addi %mul3A_5, %add3A_354 : vector<16xi32>
        tpu.vector_store_idx %arg13[%add3A_355], %add3A_352 : memref<272xf32, #tpu.memory_space<vmem>>[vector<16xi32>], vector<16xf32>,
        %get3A_356 = arith.constant 0 : index
        %get3A_357 = tpu.vector_load %arg13[%get3A_356] {strides = array<i32>} : memref<272xf32, #tpu.memory_space<vmem>>, vector<16xf32>,
        %get3A_358 = arith.constant 17 : index
        %get3A_359 = tpu.vector_load %arg13[%get3A_358] {strides = array<i32>} : memref<272xf32, #tpu.memory_space<vmem>>, vector<16xf32>,
        %add3A_360 = arith.addf %get3A_357, %get3A_359 : vector<16xf32>
        %get3A_361 = arith.constant 34 : index
        %get3A_362 = tpu.vector_load %arg13[%get3A_361] {strides = array<i32>} : memref<272xf32, #tpu.memory_space<vmem>>, vector<16xf32>,
        %add3A_363 = arith.addf %add3A_360, %get3A_362 : vector<16xf32>
        %get3A_364 = arith.constant 51 : index
        %get3A_365 = tpu.vector_load %arg13[%get3A_364] {strides = array<i32>} : memref<272xf32, #tpu.memory_space<vmem>>, vector<16xf32>,
        %add3A_366 = arith.addf %add3A_363, %get3A_365 : vector<16xf32>
        %get3A_367 = arith.constant 68 : index
        %get3A_368 = tpu.vector_load %arg13[%get3A_367] {strides = array<i32>} : memref<272xf32, #tpu.memory_space<vmem>>, vector<16xf32>,
        %add3A_369 = arith.addf %add3A_366, %get3A_368 : vector<16xf32>
        %get3A_370 = arith.constant 85 : index
        %get3A_371 = tpu.vector_load %arg13[%get3A_370] {strides = array<i32>} : memref<272xf32, #tpu.memory_space<vmem>>, vector<16xf32>,
        %add3A_372 = arith.addf %add3A_369, %get3A_371 : vector<16xf32>
        %get3A_373 = arith.constant 102 : index
        %get3A_374 = tpu.vector_load %arg13[%get3A_373] {strides = array<i32>} : memref<272xf32, #tpu.memory_space<vmem>>, vector<16xf32>,
        %add3A_375 = arith.addf %add3A_372, %get3A_374 : vector<16xf32>
        %get3A_376 = arith.constant 119 : index
        %get3A_377 = tpu.vector_load %arg13[%get3A_376] {strides = array<i32>} : memref<272xf32, #tpu.memory_space<vmem>>, vector<16xf32>,
        %add3A_378 = arith.addf %add3A_375, %get3A_377 : vector<16xf32>
        %get3A_379 = arith.constant 136 : index
        %get3A_380 = tpu.vector_load %arg13[%get3A_379] {strides = array<i32>} : memref<272xf32, #tpu.memory_space<vmem>>, vector<16xf32>,
        %add3A_381 = arith.addf %add3A_378, %get3A_380 : vector<16xf32>
        %get3A_382 = arith.constant 153 : index
        %get3A_383 = tpu.vector_load %arg13[%get3A_382] {strides = array<i32>} : memref<272xf32, #tpu.memory_space<vmem>>, vector<16xf32>,
        %add3A_384 = arith.addf %add3A_381, %get3A_383 : vector<16xf32>
        %get3A_385 = arith.constant 170 : index
        %get3A_386 = tpu.vector_load %arg13[%get3A_385] {strides = array<i32>} : memref<272xf32, #tpu.memory_space<vmem>>, vector<16xf32>,
        %add3A_387 = arith.addf %add3A_384, %get3A_386 : vector<16xf32>
        %get3A_388 = arith.constant 187 : index
        %get3A_389 = tpu.vector_load %arg13[%get3A_388] {strides = array<i32>} : memref<272xf32, #tpu.memory_space<vmem>>, vector<16xf32>,
        %add3A_390 = arith.addf %add3A_387, %get3A_389 : vector<16xf32>
        %get3A_391 = arith.constant 204 : index
        %get3A_392 = tpu.vector_load %arg13[%get3A_391] {strides = array<i32>} : memref<272xf32, #tpu.memory_space<vmem>>, vector<16xf32>,
        %add3A_393 = arith.addf %add3A_390, %get3A_392 : vector<16xf32>
        %get3A_394 = arith.constant 221 : index
        %get3A_395 = tpu.vector_load %arg13[%get3A_394] {strides = array<i32>} : memref<272xf32, #tpu.memory_space<vmem>>, vector<16xf32>,
        %add3A_396 = arith.addf %add3A_393, %get3A_395 : vector<16xf32>
        %get3A_397 = arith.constant 238 : index
        %get3A_398 = tpu.vector_load %arg13[%get3A_397] {strides = array<i32>} : memref<272xf32, #tpu.memory_space<vmem>>, vector<16xf32>,
        %add3A_399 = arith.addf %add3A_396, %get3A_398 : vector<16xf32>
        %get3A_400 = arith.constant 255 : index
        %get3A_401 = tpu.vector_load %arg13[%get3A_400] {strides = array<i32>} : memref<272xf32, #tpu.memory_space<vmem>>, vector<16xf32>,
        %add3A_402 = arith.addf %add3A_399, %get3A_401 : vector<16xf32>
        %add3A_403 = arith.addi %mul3A_12, %mul3A_36 : i32
        %get3A_404 = arith.index_cast %add3A_403 : i32 to index
        %get3A_405 = tpu.vector_load %arg12[%get3A_404] {strides = array<i32>} : memref<512xf32, #tpu.memory_space<vmem>>, vector<16xf32>,
        %add3A_406 = arith.addf %add3A_402, %get3A_405 : vector<16xf32>
        %neg3A = arith.constant 0.000000e+00 : f32
        %neg3A_407 = vector.broadcast %neg3A : f32 to vector<16xf32>
        %neg3A_408 = arith.subf %neg3A_407, %add3A_406 : vector<16xf32>
        %exp3A = math.exp %neg3A_408 : vector<16xf32>
        %add3A_409 = arith.constant 1.000000e+00 : f32
        %add3A_410 = vector.broadcast %add3A_409 : f32 to vector<16xf32>
        %add3A_411 = arith.addf %add3A_410, %exp3A : vector<16xf32>
        %div3A = arith.constant 1.000000e+00 : f32
        %div3A_412 = vector.broadcast %div3A : f32 to vector<16xf32>
        %div3A_413 = arith.divf %div3A_412, %add3A_411 : vector<16xf32>
        %add3A_414 = arith.addi %mul3A_12, %mul3A_36 : i32
        %swap3A = arith.index_cast %add3A_414 : i32 to index
        %swap3A_415 = tpu.vector_load %arg14[%swap3A] {strides = array<i32>} : memref<512xf32, #tpu.memory_space<vmem>>, vector<16xf32>,
        tpu.vector_store %arg14[%swap3A], %div3A_413 {strides = array<i32>} : memref<512xf32, #tpu.memory_space<vmem>>, vector<16xf32>,
      }
      %scan3A_33 = arith.constant 16 : i32
    }
    %scan3A_9 = arith.constant 2 : i32
    "tpu.region"() ({
      %run_scoped3A = tpu.sem_alloc : memref<!tpu.dma_semaphore, #tpu.memory_space<semaphore_mem>>
      %dma_start3A = tpu.memref_slice %arg7[%mul3A_2] : memref<16384xf32, #tpu.memory_space<hbm>> -> memref<512xf32, #tpu.memory_space<hbm>>
      %dma_start3A_10 = tpu.memref_slice %arg7[%mul3A_2] : memref<16384xf32, #tpu.memory_space<hbm>> -> memref<512xf32, #tpu.memory_space<hbm>>
      tpu.enqueue_dma source(%arg14 : memref<512xf32, #tpu.memory_space<vmem>>) target(%dma_start3A_10 : memref<512xf32, #tpu.memory_space<hbm>>) target_semaphore(%run_scoped3A : memref<!tpu.dma_semaphore, #tpu.memory_space<semaphore_mem>>)
      %dma_wait3A = tpu.memref_slice %arg7[%mul3A_2] : memref<16384xf32, #tpu.memory_space<hbm>> -> memref<512xf32, #tpu.memory_space<hbm>>
      %dma_wait3A_11 = tpu.memref_slice %arg7[%mul3A_2] : memref<16384xf32, #tpu.memory_space<hbm>> -> memref<512xf32, #tpu.memory_space<hbm>>
      tpu.wait_dma2 semaphore(%run_scoped3A : memref<!tpu.dma_semaphore, #tpu.memory_space<semaphore_mem>>) src(%arg14 : memref<512xf32, #tpu.memory_space<vmem>>) dst(%dma_wait3A_11 : memref<512xf32, #tpu.memory_space<hbm>>)
      tpu.yield
    }) : () -> ()
    return
  }
}

</mosaic_0001>

<sc_bundles>
// kernel: gather_offload_async_start.1
scs
__scs_entry_jumppad:
0x0: {  	(pc) =	sbr.rel $0x88, $3  }
0x1: {  	(tag) =	ssettag $0x0;
	lr =	simm.s32 $0x1  }
0x2: {  	[smem:$0x3F9B] =	sst lr;
	_ =	strace $0xD0000000  }
0x3: {  	_ = 	snop  }
0x4: {  	_ = 	snop  }
0x5: {  	_ = 	snop  }
0x6: {  	_ = 	snop  }
0x7: {  	_ = 	snop  }
__scs_overlays_trampoline_lowered:
0x8: {  	[smem:$0x3FAA] =	sst s0  }
0x9: {  	[smem:$0x3FAB] =	sst s1  }
0xa: {  	[smem:$0x3FAC] =	sst s2  }
0xb: {  	[smem:$0x3FAD] =	sst s3  }
0xc: {  	[smem:$0x3FAE] =	sst s4  }
0xd: {  	[smem:$0x3FAF] =	sst s5  }
0xe: {  	[smem:$0x3FB0] =	sst s6  }
0xf: {  	[smem:$0x3FB1] =	sst s7  }
0x10: {  	[smem:$0x3FB2] =	sst s8  }
0x11: {  	[smem:$0x3FB3] =	sst s9;
	s0 =	simm.s32 @!p0 $0x0  }
0x12: {  	s1 =	sld [smem:$0x3F99];
	s0 =	simm.s32 @p0 $0x1  }
0x13: {  	[smem:$0x3FB4] =	sst s0;
	s0 =	simm.s32 @!p1 $0x0  }
0x14: {  	s2 =	sld [smem:$0x3F98];
	s0 =	simm.s32 @p1 $0x1  }
0x15: {  	[smem:$0x3FB5] =	sst s0;
	s0 =	simm.s32 @!p2 $0x0  }
0x16: {  	s3 =	sld [smem:$0x3FDB];
	s0 =	simm.s32 @p2 $0x1  }
0x17: {  	s4 =	simm.s32 $0x1BF5;
	[smem:$0x3FB7] =	sst s0  }
0x18: {  	s0 =	sld [smem:$0x3F9A];
	_ =	swait.ge [sflag:s4], $0x0  }
0x19: {  	s7 =	sld [smem:$0x3F9B]  }
0x1a: {  	s8 =	sadd.s32 $0xFFFFE003, lr  }
0x1b: {  	s9 =	sadd.s32 $0xFFFFFEF7, lr;
	s5 =	simm.s32 $0xFFFFFFFF;
	p2 =	slt.u32 s8, $0xFFFFF086  }
0x1c: {  	p1 =	slt.u32 s9, $0xF7A;
	s5 =	simm.s32 @!p2 $0x0  }
0x1d: {  	s5 =	simm.s32 @p1 $0x1;
	p0 =	seq.s32 s7, s2  }
0x1e: {  	s7 =	smul.u32 @!p0 $0xF7A, s2;
	p2 =	seq.s32 @!p0 s5, $0x0  }
0x1f: {  	s9 =	smul.u32 $0xF7A, s1;
	s8 =	simm.s32 @!p0 $0x1BF5;
	p2 =	por !p2, p0  }
0x20: {  	[sflag:s8] =	ssyncset.s32 @!p0 $0xFFFFF086;
	s6 =	sadd.s32 @!p0 s3, s7;
	s7 =	simm.s32 @!p0 $0x108  }
0x21: {  	s3 =	sadd.s32 s3, s9;
	s6 =	sadd.s32 @!p0 $0x88, s6;
	s7 =	simm.s32 @p2 $0x1082  }
0x22: {  	[simem:s7], [sflag:s8] =	dma.local @!p0 [hbm:s6], $0xF7A  }
0x23: {  	s9 =	sor.u32 $0xD0000000, s2;
	s6 =	simm.s32 $0x108;
	_ =	swait.ge @!p0 [sflag:s8], $0x0  }
0x24: {  	s3 =	sadd.s32 $0x88, s3;
	s6 =	simm.s32 @!p1 $0x1082;
	[sflag:s4] =	ssyncset.s32 $0xFFFFF086  }
0x25: {  	[simem:s6], [sflag:s4] =	dma.local [hbm:s3], $0xF7A  }
0x26: {  	[smem:$0x3F9B] =	sst s1;
	(tag) =	ssettag s2;
	_ =	strace s9  }
0x27: {  	s1 =	sld [smem:$0x3FAB]  }
0x28: {  	s2 =	sld [smem:$0x3FAC]  }
0x29: {  	s4 =	sld [smem:$0x3FAE]  }
0x2a: {  	p0 =	seq.s32 s5, $0x0;
	s5 =	sld [smem:$0x3FAF]  }
0x2b: {  	s6 =	sld [smem:$0x3FB0]  }
0x2c: {  	s7 =	sld [smem:$0x3FB1]  }
0x2d: {  	s3 =	simm.s32 $0x108;
	s8 =	sld [smem:$0x3FB2]  }
0x2e: {  	s3 =	simm.s32 @!p0 $0x1082;
	s9 =	sld [smem:$0x3FB3]  }
0x2f: {  	lr =	sadd.s32 s0, s3;
	s0 =	sld [smem:$0x3FAA]  }
0x30: {  	s3 =	sld [smem:$0x3FAD]  }
0x31: {  	[smem:$0x3FB6] =	sst s10  }
0x32: {  	s10 =	sld [smem:$0x3FB4];
	_ =	sdelay $0x3  }
0x33: {  	p0 =	seq.s32 s10, $0x1;
	s10 =	sld [smem:$0x3FB6];
	_ =	sdelay $0x3  }
0x34: {  	[smem:$0x3FB6] =	sst s10  }
0x35: {  	s10 =	sld [smem:$0x3FB5];
	_ =	sdelay $0x3  }
0x36: {  	p1 =	seq.s32 s10, $0x1;
	s10 =	sld [smem:$0x3FB6];
	_ =	sdelay $0x3  }
0x37: {  	[smem:$0x3FB6] =	sst s10  }
0x38: {  	s10 =	sld [smem:$0x3FB7]  }
0x39: {  	_ = 	snop;
	(pc) =	sbr.ind lr, $3  }
0x3a: {  	_ = 	snop  }
0x3b: {  	_ = 	snop  }
0x3c: {  	p2 =	seq.s32 s10, $0x1;
	s10 =	sld [smem:$0x3FB6]  }
0x3d: {  	_ =	shalt  }
0x3e: {  	_ =	shalt  }
0x3f: {  	_ =	shalt  }
0x40: {  	_ =	shalt  }
0x41: {  	_ =	shalt  }
0x42: {  	_ =	shalt  }
0x43: {  	_ =	shalt  }
0x44: {  	_ =	shalt  }
0x45: {  	_ =	shalt  }
0x46: {  	_ =	shalt  }
0x47: {  	_ =	shalt  }
0x48: {  	_ =	shalt  }
0x49: {  	_ =	shalt  }
0x4a: {  	_ =	shalt  }
0x4b: {  	_ =	shalt  }
0x4c: {  	_ =	shalt  }
0x4d: {  	_ =	shalt  }
0x4e: {  	_ =	shalt  }
0x4f: {  	_ =	shalt  }
0x50: {  	_ =	shalt  }
0x51: {  	_ =	shalt  }
0x52: {  	_ =	shalt  }
0x53: {  	_ =	shalt  }
0x54: {  	_ =	shalt  }
0x55: {  	_ =	shalt  }
0x56: {  	_ =	shalt  }
0x57: {  	_ =	shalt  }
0x58: {  	_ =	shalt  }
0x59: {  	_ =	shalt  }
0x5a: {  	_ =	shalt  }
0x5b: {  	_ =	shalt  }
0x5c: {  	_ =	shalt  }
0x5d: {  	_ =	shalt  }
0x5e: {  	_ =	shalt  }
0x5f: {  	_ =	shalt  }
0x60: {  	_ =	shalt  }
0x61: {  	_ =	shalt  }
0x62: {  	_ =	shalt  }
0x63: {  	_ =	shalt  }
0x64: {  	_ =	shalt  }
0x65: {  	_ =	shalt  }
0x66: {  	_ =	shalt  }
0x67: {  	_ =	shalt  }
0x68: {  	_ =	shalt  }
0x69: {  	_ =	shalt  }
0x6a: {  	_ =	shalt  }
0x6b: {  	_ =	shalt  }
0x6c: {  	_ =	shalt  }
0x6d: {  	_ =	shalt  }
0x6e: {  	_ =	shalt  }
0x6f: {  	_ =	shalt  }
0x70: {  	_ =	shalt  }
0x71: {  	_ =	shalt  }
0x72: {  	_ =	shalt  }
0x73: {  	_ =	shalt  }
0x74: {  	_ =	shalt  }
0x75: {  	_ =	shalt  }
0x76: {  	_ =	shalt  }
0x77: {  	_ =	shalt  }
0x78: {  	_ =	shalt  }
0x79: {  	_ =	shalt  }
0x7a: {  	_ =	shalt  }
0x7b: {  	_ =	shalt  }
0x7c: {  	_ =	shalt  }
0x7d: {  	_ =	shalt  }
0x7e: {  	_ =	shalt  }
0x7f: {  	_ =	shalt  }
0x80: {  	_ =	shalt  }
0x81: {  	_ =	shalt  }
0x82: {  	_ =	shalt  }
0x83: {  	_ =	shalt  }
0x84: {  	_ =	shalt  }
0x85: {  	_ =	shalt  }
0x86: {  	_ =	shalt  }
0x87: {  	_ =	shalt  }
.Lfunc_end0:
.L_simem_size_0:
called_computation.1_lowered:
.L_overlay_start_0:
0x88: {  	s2 =	sld [smem:$0x3FD9]  }
0x89: {  	s3 =	sld [smem:$0x3FFE];
	_ =	sdelay $0x1  }
0x8a: {  	s1 =	srdreg.scid  }
0x8b: {  	s0 =	sand.u32 $0x1, s1  }
0x8c: {  	s17 =	sshll.u32 s0, $0xA;
	s2 =	sadd.s32 s3, s2  }
0x8d: {  	s2 =	sadd.s32 s2, s17  }
0x8e: {  	[smem:$0x3FC2] =	sst s2  }
0x8f: {  	_ = 	snop  }
0x90: {  	s18 =	sld [smem:$0x3FD0];
	(tm) =	ssettm $0x1  }
0x91: {  	s19 =	sld [smem:$0x3FFB];
	_ =	sdelay $0x3  }
0x92: {  	_ =	strace s19  }
0x93: {  	s2 =	sld [smem:$0x3FFC];
	_ =	sdelay $0x3  }
0x94: {  	_ =	strace s2  }
0x95: {  	s2 =	sld [smem:$0x3FFD];
	_ =	sdelay $0x3  }
0x96: {  	_ =	strace s2  }
0x97: {  	_ =	strace $0x8FFFFFFF  }
0x98: {  	s20 =	sld [smem:$0x3FDB];
	_ =	sdelay $0x1  }
0x99: {  	s4 =	simm.s32 $_scs_section_size  }
0x9a: {  	s5 =	simm.s32 $_size__tile_overlayer_lowered;
	s6 =	simm.s32 $_tile_overlayer_lowered  }
0x9b: {  	s7 =	simm.s32 $0x1BFF;
	s21 =	sshll.u32 s6, $0x1;
	s4 =	sadd.s32 s4, s20  }
0x9c: {  	s22 =	simm.s32 $0x0;
	s5 =	sshll.u32 s5, $0x1;
	s6 =	sadd.s32 s21, s4  }
0x9d: {  	[timem:s22], [sflag:s7] =	dma.local [hbm:s6], s5  }
0x9e: {  	_ =	swait.ge [sflag:s7], s5  }
0x9f: {  	s5 =	ssub.s32 $0x0, s5;
	[sflag:s7] =	ssyncset.done $0x0  }
0xa0: {  	[sflag:s7] =	ssyncadd.s32 s5;
	_ =	sdelay $0x1  }
0xa1: {  	s23 =	simm.s32 $0x1B8B  }
0xa2: {  	_ =	swait.ge [sflag:s23], $0x1  }
0xa3: {  	[sflag:s23] =	ssyncset.done $0x0  }
0xa4: {  	[sflag:s23] =	ssyncadd.s32 $0xFFFFFFFF  }
0xa5: {  	s5 =	sld [smem:$0x0]  }
0xa6: {  	s6 =	sand.u32 $0xFFFFFFFE, s1  }
0xa7: {  	p0 =	sne.s32 s1, s6  }
0xa8: {  	s6 =	sshll.u32 @p0 s6, $0xE  }
0xa9: {  	s6 =	sadd.s32 @p0 $0x11B8D, s6;
	s7 =	sshll.u32 @p0 s5, $0x11  }
0xaa: {  	s6 =	sor.u32 @p0 s7, s6  }
0xab: {  	[sflag:s6] =	ssyncadd.remote.s32 @p0 $0x1;
	_ =	sdelay $0x1  }
0xac: {  	s6 =	simm.s32 @p0 $0x1B8D  }
0xad: {  	_ =	swait.eq @p0 [sflag:s6], $0x1  }
0xae: {  	[sflag:s6] =	ssyncadd.s32 @p0 $0xFFFFFFFF  }
0xaf: {  	s7 =	sshll.u32 @!p0 s1, $0xE  }
0xb0: {  	s7 =	sor.u32 @!p0 $0x4000, s7;
	s6 =	simm.s32 @!p0 $0x1B8D  }
0xb1: {  	s5 =	sshll.u32 @!p0 s5, $0x11;
	s7 =	sadd.s32 @!p0 $0x11B8D, s7;
	_ =	swait.eq @!p0 [sflag:s6], $0x1  }
0xb2: {  	s5 =	sor.u32 @!p0 s5, s7;
	[sflag:s6] =	ssyncadd.s32 @!p0 $0xFFFFFFFF  }
0xb3: {  	s25 =	simm.s32 $0x1B8E;
	s24 =	sld [smem:$0x3FFE];
	[sflag:s5] =	ssyncadd.remote.s32 @!p0 $0x1  }
0xb4: {  	s26 =	simm.s32 $execute0_lowered;
	[smem:$0x3FD2] =	sst s25  }
0xb5: {  	s6 =	sshll.u32 s26, $0x1;
	_ =	strace $0x80000049;
	[dreg:$0x1] =	wrdreg $0xFFFFFFFF  }
0xb6: {  	s28 =	simm.s32 $_size_execute0_lowered;
	s4 =	sadd.s32 s4, s6;
	[dreg:$0x0] =	wrdreg $0x0  }
0xb7: {  	s6 =	sshll.u32 s28, $0x1;
	[dreg:$0x2] =	wrdreg s4  }
0xb8: {  	[dreg:$0x3] =	wrdreg s6  }
0xb9: {  	[dreg:$0x4] =	wrdreg $0xC0  }
0xba: {  	_ =	task [dreg:s22], $0x5FFFF  }
0xbb: {  	[dreg:$0x1] =	wrdreg $0xFFFFFFFF  }
0xbc: {  	[dreg:$0x0] =	wrdreg $0x60  }
0xbd: {  	[dreg:$0x2] =	wrdreg s24  }
0xbe: {  	[dreg:$0x3] =	wrdreg s18  }
0xbf: {  	[dreg:$0x4] =	wrdreg $0xA  }
0xc0: {  	_ =	task.clear_ibuf [dreg:s22], $0x5FFFF;
	_ =	strace $0x90000049  }
0xc1: {  	s29 =	simm.s32 $0xA;
	_ =	strace $0x8000004B  }
0xc2: {  	_ =	swait.ge [sflag:s29], $0x1  }
0xc3: {  	[sflag:s29] =	ssyncadd.s32 $0xFFFFFFFF  }
0xc4: {  	_ =	strace $0x9000004B  }
0xc5: {  	_ =	sfence  }
0xc6: {  	s30 =	sld [smem:$0x0];
	_ =	sdelay $0x2  }
0xc7: {  	s31 =	sshll.u32 s1, $0xD;
	s1 =	sshrl.u32 s1, $0x2  }
0xc8: {  	s4 =	sand.u32 $0x4000, s31;
	s1 =	sadd.s32 s1, s30  }
0xc9: {  	s0 =	sor.u32 s4, s0;
	s1 =	sshll.u32 s1, $0x11  }
0xca: {  	s0 =	sor.u32 s1, s0  }
0xcb: {  	s0 =	sadd.s32 $0x8F2B, s0  }
0xcc: {  	[sflag:s0] =	ssyncadd.remote.s32 $0x1  }
0xcd: {  	_ =	sfence.sel $0xFFFF  }
0xce: {  	[dreg:$0x0] =	wrdreg $0xFFFFFFFF;
	(pc) =	sbr.abs _section_cstart, $3  }
0xcf: {  	[dreg:$0x1] =	wrdreg $0xFFFFFFFF  }
0xd0: {  	_ =	task.clear_ibuf [dreg:s22], $0x2FFFF;
	_ =	strace $0x9FFFFFFF  }
0xd1: {  	(tm) =	ssettm $0x7FFFFFFF  }
tec
execute0_lowered:
.L_overlay_start_1:
0x0: {  	(tag) =	ssettag $0x1  }
0x1: {  	s1 =	srdreg.scid;
	s5 =	rddreg [dreg:$0x0]  }
0x2: {  	s0 =	stileid.u32;
	s2 =	rddreg [dreg:$0x1];
	s6 =	simm.s32 $0x1  }
0x3: {  	s9 =	simm.s32 $0x1;
	s10 =	simm.s32 $0x3;
	s1 =	sshll.u32 s1, $0x8  }
0x4: {  	s13 =	simm.s32 $0x0;
	s3 =	sshll.u32 s0, $0x9;
	s4 =	sand.u32 $0x100, s1  }
0x5: {  	s12 =	simm.s32 $0x0;
	s1 =	rddreg [dreg:$0x2];
	s3 =	sor.u32 s3, s4  }
0x6: {  	_ =	strace $0x8000004A;
	s4 =	sadd.s32 $0x21000, s5;
	s8 =	ssub.s32 $0x4000, s3  }
.Ltmp0:
0x7: {  	s5 =	sadd.s32 $0x1EC4A00, s5;
	s7 =	sand.u32 $0x1F00, s8;
	(pc) =	sbr.rel .LBB2_1-.Ltmp0, $4  }
0x8: {  	[sflag:s6] =	ssyncpa.u1 $0x0;
	s11 =	smov.u32 s3;
	p0 =	sne.s32 s7, $0x0  }
0x9: {  	s8 =	sshrl.u32 s8, $0xD;
	s7 =	simm.s32 $0x2;
	s9 =	simm.s32 @!p0 $0x0  }
0xa: {  	[sflag:s7] =	ssyncpa.u1 $0x0;
	p0 =	por $0x0, $0x0;
	s8 =	sadd.s32 s9, s8  }
0xb: {  	vm0 =	vmmov $0xffff;
	[sflag:s10] =	ssyncpa.u1 $0x0;
	s10 =	simm.s32 $0x0;
	s9 =	sadd.s32 $0x1, s8  }
.LBB2_4:
0xc: {  	v2 =	vnsel vm1, $0x0, v2  }
0xd: {  	vm1 =	vgt.s32 v0, $0x0;
	v2 =	vmin.u32 v2, $0xF423F  }
0xe: {  	v0 =	vnsel vm1, $0x0, v0  }
0xf: {  	v0 =	vmin.u32 v0, $0xF423F  }
0x10: {  	[tilespmem:s15], [sflag:$0x1] =	stream.indirect_vreg.gather [hbm4b:s4+s10], $0x1, v1, vm0, $0x4038;
	[tilespmem:$0x400] =	vst v63  }
0x11: {  	(ifvalue) =	ssetifvalue $0x7FFFFFFF  }
0x12: {  	[tilespmem:s16], [sflag:$0x1] =	stream.indirect_vreg.gather [hbm4b:s4+s10], $0x1, v2, vm0, $0x4038;
	[tilespmem:$0x400] =	vst v63  }
0x13: {  	s29 =	sadd.s32 $0x10, s16;
	(ifvalue) =	ssetifvalue $0x7FFFFFFF  }
0x14: {  	[tilespmem:s29], [sflag:$0x1] =	stream.indirect_vreg.gather [hbm4b:s4+s10], $0x1, v0, vm0, $0x4038;
	[tilespmem:$0x400] =	vst v63  }
0x15: {  	_ =	swait.ge [sflag:s6], $0x100  }
0x16: {  	s30 =	sshrl.u32 s13, $0x3;
	[sflag:s6] =	ssyncset.done $0x0  }
0x17: {  	s31 =	sand.u32 $0x7, s13;
	s15 =	sadd.s32 s5, s30;
	[sflag:s6] =	ssyncadd.s32 $0xFFFFFF00  }
0x18: {  	[hbm4b:s15+s31] =	stream.linear.scatter [tilespmem:s14], [sflag:$0x3], $0x100, $0x38;
	[tilespmem:$0x400] =	vst v63  }
.LBB2_5:
0x19: {  	s15 =	sadd.s32 $0x2000, s11  }
0x1a: {  	p2 =	sgt.s32 s15, $0x3FFF  }
0x1b: {  	s15 =	smov.u32 @p2 s3;
	p2 =	sne.s32 s12, s9  }
.Ltmp1:
0x1c: {  	p1 =	slt.u32 s12, $0x2;
	(pc) =	sbr.rel @!p2 .LBB2_6-.Ltmp1, $4  }
0x1d: {  	s14 =	simm.s32 @!p1 $0x3  }
0x1e: {  	s16 =	sadd.s32 $0x1, s12;
	_ =	swait.ge @!p1 [sflag:s14], $0x100  }
0x1f: {  	s13 =	smov.u32 s11;
	p0 =	por !p0, !p0;
	[sflag:s14] =	ssyncset.done @!p1 $0x0  }
0x20: {  	s12 =	smov.u32 s16;
	s11 =	smov.u32 s15;
	[sflag:s14] =	ssyncadd.s32 @!p1 $0xFFFFFF00  }
.LBB2_1:
0x21: {  	p1 =	sge.u32 s12, s8  }
0x22: {  	s14 =	sxor.u32 @!p1 $0xFFFFFFFF, s12  }
0x23: {  	s31 =	sadd.s32 $0xFFFFFFFF, s12;
	s15 =	sshrl.u32 @!p1 s11, $0x3;
	s14 =	sshll.u32 @!p1 s14, $0x8  }
0x24: {  	s16 =	sand.u32 @!p1 $0x7, s11;
	s15 =	sadd.s32 @!p1 s2, s15;
	s14 =	sand.u32 @!p1 $0x100, s14  }
0x25: {  	[tilespmem:s14], [sflag:$0x2] =	stream.linear.gather @!p1 [hbm4b:s15+s16], $0x100, $0x38;
	[tilespmem:$0x400] =	vst v63  }
0x26: {  	p1 =	sge.u32 s31, s8  }
.Ltmp2:
0x27: {  	_ = 	snop;
	(pc) =	sbr.rel @p1 .LBB2_5-.Ltmp2, $1  }
0x28: {  	_ =	sdelay $0x3  }
0x29: {  	s14 =	simm.s32 $0x1  }
0x2a: {  	_ =	swait.ge [sflag:s7], $0x100;
	s14 =	simm.s32 @!p0 $0x0  }
0x2b: {  	[sflag:s7] =	ssyncset.done $0x0;
	s14 =	sshll.u32 s14, $0x8  }
0x2c: {  	[sflag:s7] =	ssyncadd.s32 $0xFFFFFF00;
	(ifvalue) =	ssetifvalue $0x7FFFFFFF;
	v0 =	vld.msk [tilespmem:s14+$0x0 ss:$0x1], $0xffff;
	_ =	sdelay $0x4  }
0x2d: {  	s15 =	sadd.s32 $0x10, s14;
	vm1 =	vgt.s32 v0, $0x0  }
0x2e: {  	v2 =	vld.msk [tilespmem:s15+$0x0 ss:$0x1], $0xffff;
	v1 =	vnsel vm1, $0x0, v0  }
0x2f: {  	v1 =	vmin.u32 v1, $0xF423F;
	_ =	sdelay $0x1  }
0x30: {  	s16 =	sshll.u32 s12, $0x8;
	s18 =	simm.s32 $0x20  }
0x31: {  	s16 =	sand.u32 $0x100, s16;
	s17 =	sadd.s32 $0x10, s15;
	s15 =	sor.u32 $0x200, s14  }
0x32: {  	s14 =	sor.u32 $0x200, s16;
	s16 =	sadd.s32 $0x10, s15;
	v0 =	vld.msk [tilespmem:s17+$0x0 ss:$0x1], $0xffff;
	vm1 =	vgt.s32 v2, $0x0;
	(ifvalue) =	ssetifvalue $0x7FFFFFFF  }
.LBB2_3:
0x33: {  	[tilespmem:s15], [sflag:$0x1] =	stream.indirect_vreg.gather [hbm4b:s4+s10], $0x1, v1, vm0, $0x4038;
	[tilespmem:$0x400] =	vst v63  }
0x34: {  	s18 =	sadd.s32 $0x10, s18  }
0x35: {  	v2 =	vnsel vm1, $0x0, v2;
	p1 =	slt.u32 s18, $0xF0  }
.Ltmp3:
0x36: {  	s15 =	smov.u32 s16;
	v1 =	vmin.u32 v2, $0xF423F;
	(pc) =	sbr.rel @p1 .LBB2_3-.Ltmp3, $3  }
0x37: {  	_ =	sdelay $0x1  }
0x38: {  	s17 =	sadd.s32 $0x10, s17  }
0x39: {  	vm1 =	vgt.s32 v0, $0x0;
	s16 =	sadd.s32 $0x10, s16;
	v2 =	vmov v0;
	(ifvalue) =	ssetifvalue $0x7FFFFFFF;
	v0 =	vld.msk [tilespmem:s17+$0x0 ss:$0x1], $0xffff  }
.Ltmp4:
0x3a: {  	_ = 	snop;
	(pc) =	sbr.rel .LBB2_4-.Ltmp4, $1  }
0x3b: {  	_ =	sdelay $0x3  }
.LBB2_6:
0x3c: {  	_ =	sfence.sel $0x180000  }
0x3d: {  	s2 =	simm.s32 $0x2;
	[bflag:$0x0] =	sbarrier.arrive $0xFFFF  }
0x3e: {  	s30 =	simm.s32 $0x3;
	[sflag:s2] =	ssyncpa.u1 $0x1  }
0x3f: {  	s31 =	simm.s32 $0x1;
	[sflag:s30] =	ssyncpa.u1 $0x1  }
0x40: {  	[sflag:s31] =	ssyncpa.u1 $0x1  }
0x41: {  	p0 =	sne.s32 s0, $0x0;
	_ =	strace $0x9000004A  }
0x42: {  	s0 =	sadd.s32 @!p0 $0x100000, s1;
	[bflag:$0x2] =	sbarrier.arrive $0xFFFF  }
0x43: {  	[sflag:s0] =	ssyncadd.tile.s32 @!p0 $0x1;
	_ =	shalt  }
.Lfunc_end2:
_tile_overlayer_lowered:
.L_overlay_start_2:
0x44: {  	(tag) =	ssettag $0x2  }
0x45: {  	s0 =	rddreg [dreg:$0x0];
	s2 =	stileid.u32  }
0x46: {  	s1 =	rddreg [dreg:$0x1];
	p0 =	sne.s32 s2, $0x0  }
0x47: {  	s3 =	rddreg [dreg:$0x2];
	[bflag:$0x3] =	sbarrier.arrive $0xFFFF;
	s2 =	simm.s32 @!p0 $0x1C01  }
0x48: {  	[timem:s3], [sflag:s2] =	dma.local @!p0 [hbm:s0], s1  }
0x49: {  	s0 =	simm.s32 @!p0 $0x1  }
0x4a: {  	_ =	swait.ge @!p0 [sflag:s0], s1  }
0x4b: {  	s1 =	ssub.s32 @!p0 $0x0, s1;
	[sflag:s0] =	ssyncset.done @!p0 $0x0  }
0x4c: {  	[sflag:s0] =	ssyncadd.s32 @!p0 s1  }
0x4d: {  	[bflag:$0x3] =	sbarrier.arrive $0xFFFF  }
0x4e: {  	_ =	shalt  }

// kernel: gather_offload_async_start
scs
__scs_entry_jumppad:
0x0: {  	(pc) =	sbr.rel $0x88, $3  }
0x1: {  	(tag) =	ssettag $0x0;
	lr =	simm.s32 $0x1  }
0x2: {  	[smem:$0x3F9B] =	sst lr;
	_ =	strace $0xD0000000  }
0x3: {  	_ = 	snop  }
0x4: {  	_ = 	snop  }
0x5: {  	_ = 	snop  }
0x6: {  	_ = 	snop  }
0x7: {  	_ = 	snop  }
__scs_overlays_trampoline_lowered:
0x8: {  	[smem:$0x3FAA] =	sst s0  }
0x9: {  	[smem:$0x3FAB] =	sst s1  }
0xa: {  	[smem:$0x3FAC] =	sst s2  }
0xb: {  	[smem:$0x3FAD] =	sst s3  }
0xc: {  	[smem:$0x3FAE] =	sst s4  }
0xd: {  	[smem:$0x3FAF] =	sst s5  }
0xe: {  	[smem:$0x3FB0] =	sst s6  }
0xf: {  	[smem:$0x3FB1] =	sst s7  }
0x10: {  	[smem:$0x3FB2] =	sst s8  }
0x11: {  	[smem:$0x3FB3] =	sst s9;
	s0 =	simm.s32 @!p0 $0x0  }
0x12: {  	s1 =	sld [smem:$0x3F99];
	s0 =	simm.s32 @p0 $0x1  }
0x13: {  	[smem:$0x3FB4] =	sst s0;
	s0 =	simm.s32 @!p1 $0x0  }
0x14: {  	s2 =	sld [smem:$0x3F98];
	s0 =	simm.s32 @p1 $0x1  }
0x15: {  	[smem:$0x3FB5] =	sst s0;
	s0 =	simm.s32 @!p2 $0x0  }
0x16: {  	s3 =	sld [smem:$0x3FDB];
	s0 =	simm.s32 @p2 $0x1  }
0x17: {  	s4 =	simm.s32 $0x1BF5;
	[smem:$0x3FB7] =	sst s0  }
0x18: {  	s0 =	sld [smem:$0x3F9A];
	_ =	swait.ge [sflag:s4], $0x0  }
0x19: {  	s7 =	sld [smem:$0x3F9B]  }
0x1a: {  	s8 =	sadd.s32 $0xFFFFE003, lr  }
0x1b: {  	s9 =	sadd.s32 $0xFFFFFEF7, lr;
	s5 =	simm.s32 $0xFFFFFFFF;
	p2 =	slt.u32 s8, $0xFFFFF086  }
0x1c: {  	p1 =	slt.u32 s9, $0xF7A;
	s5 =	simm.s32 @!p2 $0x0  }
0x1d: {  	s5 =	simm.s32 @p1 $0x1;
	p0 =	seq.s32 s7, s2  }
0x1e: {  	s7 =	smul.u32 @!p0 $0xF7A, s2;
	p2 =	seq.s32 @!p0 s5, $0x0  }
0x1f: {  	s9 =	smul.u32 $0xF7A, s1;
	s8 =	simm.s32 @!p0 $0x1BF5;
	p2 =	por !p2, p0  }
0x20: {  	[sflag:s8] =	ssyncset.s32 @!p0 $0xFFFFF086;
	s6 =	sadd.s32 @!p0 s3, s7;
	s7 =	simm.s32 @!p0 $0x108  }
0x21: {  	s3 =	sadd.s32 s3, s9;
	s6 =	sadd.s32 @!p0 $0x88, s6;
	s7 =	simm.s32 @p2 $0x1082  }
0x22: {  	[simem:s7], [sflag:s8] =	dma.local @!p0 [hbm:s6], $0xF7A  }
0x23: {  	s9 =	sor.u32 $0xD0000000, s2;
	s6 =	simm.s32 $0x108;
	_ =	swait.ge @!p0 [sflag:s8], $0x0  }
0x24: {  	s3 =	sadd.s32 $0x88, s3;
	s6 =	simm.s32 @!p1 $0x1082;
	[sflag:s4] =	ssyncset.s32 $0xFFFFF086  }
0x25: {  	[simem:s6], [sflag:s4] =	dma.local [hbm:s3], $0xF7A  }
0x26: {  	[smem:$0x3F9B] =	sst s1;
	(tag) =	ssettag s2;
	_ =	strace s9  }
0x27: {  	s1 =	sld [smem:$0x3FAB]  }
0x28: {  	s2 =	sld [smem:$0x3FAC]  }
0x29: {  	s4 =	sld [smem:$0x3FAE]  }
0x2a: {  	p0 =	seq.s32 s5, $0x0;
	s5 =	sld [smem:$0x3FAF]  }
0x2b: {  	s6 =	sld [smem:$0x3FB0]  }
0x2c: {  	s7 =	sld [smem:$0x3FB1]  }
0x2d: {  	s3 =	simm.s32 $0x108;
	s8 =	sld [smem:$0x3FB2]  }
0x2e: {  	s3 =	simm.s32 @!p0 $0x1082;
	s9 =	sld [smem:$0x3FB3]  }
0x2f: {  	lr =	sadd.s32 s0, s3;
	s0 =	sld [smem:$0x3FAA]  }
0x30: {  	s3 =	sld [smem:$0x3FAD]  }
0x31: {  	[smem:$0x3FB6] =	sst s10  }
0x32: {  	s10 =	sld [smem:$0x3FB4];
	_ =	sdelay $0x3  }
0x33: {  	p0 =	seq.s32 s10, $0x1;
	s10 =	sld [smem:$0x3FB6];
	_ =	sdelay $0x3  }
0x34: {  	[smem:$0x3FB6] =	sst s10  }
0x35: {  	s10 =	sld [smem:$0x3FB5];
	_ =	sdelay $0x3  }
0x36: {  	p1 =	seq.s32 s10, $0x1;
	s10 =	sld [smem:$0x3FB6];
	_ =	sdelay $0x3  }
0x37: {  	[smem:$0x3FB6] =	sst s10  }
0x38: {  	s10 =	sld [smem:$0x3FB7]  }
0x39: {  	_ = 	snop;
	(pc) =	sbr.ind lr, $3  }
0x3a: {  	_ = 	snop  }
0x3b: {  	_ = 	snop  }
0x3c: {  	p2 =	seq.s32 s10, $0x1;
	s10 =	sld [smem:$0x3FB6]  }
0x3d: {  	_ =	shalt  }
0x3e: {  	_ =	shalt  }
0x3f: {  	_ =	shalt  }
0x40: {  	_ =	shalt  }
0x41: {  	_ =	shalt  }
0x42: {  	_ =	shalt  }
0x43: {  	_ =	shalt  }
0x44: {  	_ =	shalt  }
0x45: {  	_ =	shalt  }
0x46: {  	_ =	shalt  }
0x47: {  	_ =	shalt  }
0x48: {  	_ =	shalt  }
0x49: {  	_ =	shalt  }
0x4a: {  	_ =	shalt  }
0x4b: {  	_ =	shalt  }
0x4c: {  	_ =	shalt  }
0x4d: {  	_ =	shalt  }
0x4e: {  	_ =	shalt  }
0x4f: {  	_ =	shalt  }
0x50: {  	_ =	shalt  }
0x51: {  	_ =	shalt  }
0x52: {  	_ =	shalt  }
0x53: {  	_ =	shalt  }
0x54: {  	_ =	shalt  }
0x55: {  	_ =	shalt  }
0x56: {  	_ =	shalt  }
0x57: {  	_ =	shalt  }
0x58: {  	_ =	shalt  }
0x59: {  	_ =	shalt  }
0x5a: {  	_ =	shalt  }
0x5b: {  	_ =	shalt  }
0x5c: {  	_ =	shalt  }
0x5d: {  	_ =	shalt  }
0x5e: {  	_ =	shalt  }
0x5f: {  	_ =	shalt  }
0x60: {  	_ =	shalt  }
0x61: {  	_ =	shalt  }
0x62: {  	_ =	shalt  }
0x63: {  	_ =	shalt  }
0x64: {  	_ =	shalt  }
0x65: {  	_ =	shalt  }
0x66: {  	_ =	shalt  }
0x67: {  	_ =	shalt  }
0x68: {  	_ =	shalt  }
0x69: {  	_ =	shalt  }
0x6a: {  	_ =	shalt  }
0x6b: {  	_ =	shalt  }
0x6c: {  	_ =	shalt  }
0x6d: {  	_ =	shalt  }
0x6e: {  	_ =	shalt  }
0x6f: {  	_ =	shalt  }
0x70: {  	_ =	shalt  }
0x71: {  	_ =	shalt  }
0x72: {  	_ =	shalt  }
0x73: {  	_ =	shalt  }
0x74: {  	_ =	shalt  }
0x75: {  	_ =	shalt  }
0x76: {  	_ =	shalt  }
0x77: {  	_ =	shalt  }
0x78: {  	_ =	shalt  }
0x79: {  	_ =	shalt  }
0x7a: {  	_ =	shalt  }
0x7b: {  	_ =	shalt  }
0x7c: {  	_ =	shalt  }
0x7d: {  	_ =	shalt  }
0x7e: {  	_ =	shalt  }
0x7f: {  	_ =	shalt  }
0x80: {  	_ =	shalt  }
0x81: {  	_ =	shalt  }
0x82: {  	_ =	shalt  }
0x83: {  	_ =	shalt  }
0x84: {  	_ =	shalt  }
0x85: {  	_ =	shalt  }
0x86: {  	_ =	shalt  }
0x87: {  	_ =	shalt  }
.Lfunc_end0:
.L_simem_size_0:
called_computation_lowered:
.L_overlay_start_0:
0x88: {  	s2 =	sld [smem:$0x3FD9]  }
0x89: {  	s3 =	sld [smem:$0x3FFE];
	_ =	sdelay $0x1  }
0x8a: {  	s1 =	srdreg.scid  }
0x8b: {  	s0 =	sand.u32 $0x1, s1  }
0x8c: {  	s16 =	sshll.u32 s0, $0xA;
	s2 =	sadd.s32 s3, s2  }
0x8d: {  	s2 =	sadd.s32 s2, s16  }
0x8e: {  	[smem:$0x3FC2] =	sst s2  }
0x8f: {  	_ = 	snop  }
0x90: {  	(tm) =	ssettm $0x1  }
0x91: {  	s17 =	sld [smem:$0x3FFB];
	_ =	sdelay $0x3  }
0x92: {  	_ =	strace s17  }
0x93: {  	s2 =	sld [smem:$0x3FFC];
	_ =	sdelay $0x3  }
0x94: {  	_ =	strace s2  }
0x95: {  	s2 =	sld [smem:$0x3FFD];
	_ =	sdelay $0x3  }
0x96: {  	_ =	strace s2  }
0x97: {  	_ =	strace $0x8FFFFFFF  }
0x98: {  	s18 =	sld [smem:$0x3FDB];
	_ =	sdelay $0x1  }
0x99: {  	s19 =	simm.s32 $_scs_section_size  }
0x9a: {  	s4 =	simm.s32 $_size__tile_overlayer_lowered;
	s5 =	simm.s32 $_tile_overlayer_lowered  }
0x9b: {  	s22 =	simm.s32 $0x1BFF;
	s21 =	sshll.u32 s5, $0x1;
	s2 =	sadd.s32 s19, s18  }
0x9c: {  	s6 =	simm.s32 $0x0;
	s20 =	sshll.u32 s4, $0x1;
	s4 =	sadd.s32 s21, s2  }
0x9d: {  	[timem:s6], [sflag:s22] =	dma.local [hbm:s4], s20  }
0x9e: {  	_ =	swait.ge [sflag:s22], s20  }
0x9f: {  	s3 =	ssub.s32 $0x0, s20;
	[sflag:s22] =	ssyncset.done $0x0  }
0xa0: {  	[sflag:s22] =	ssyncadd.s32 s3;
	_ =	sdelay $0x1  }
0xa1: {  	s23 =	simm.s32 $0x1B8B  }
0xa2: {  	_ =	swait.ge [sflag:s23], $0x1  }
0xa3: {  	[sflag:s23] =	ssyncset.done $0x0  }
0xa4: {  	s25 =	simm.s32 $0x1B8E;
	s24 =	sld [smem:$0x3FFE];
	[sflag:s23] =	ssyncadd.s32 $0xFFFFFFFF  }
0xa5: {  	s26 =	simm.s32 $execute0_lowered;
	[smem:$0x3FD2] =	sst s25  }
0xa6: {  	s4 =	sshll.u32 s26, $0x1;
	_ =	strace $0x80000046;
	[dreg:$0x1] =	wrdreg $0xFFFFFFFF  }
0xa7: {  	s28 =	simm.s32 $_size_execute0_lowered;
	s2 =	sadd.s32 s2, s4;
	[dreg:$0x0] =	wrdreg $0x0  }
0xa8: {  	s4 =	sshll.u32 s28, $0x1;
	[dreg:$0x2] =	wrdreg s2  }
0xa9: {  	[dreg:$0x3] =	wrdreg s4  }
0xaa: {  	[dreg:$0x4] =	wrdreg $0xC0  }
0xab: {  	_ =	task [dreg:s6], $0x5FFFF  }
0xac: {  	[dreg:$0x1] =	wrdreg $0xFFFFFFFF  }
0xad: {  	[dreg:$0x0] =	wrdreg $0x60  }
0xae: {  	[dreg:$0x2] =	wrdreg s24  }
0xaf: {  	[dreg:$0x3] =	wrdreg $0x9  }
0xb0: {  	_ =	task.clear_ibuf [dreg:s6], $0x4FFFF;
	_ =	strace $0x90000046  }
0xb1: {  	s29 =	simm.s32 $0x9;
	_ =	strace $0x80000048  }
0xb2: {  	_ =	swait.ge [sflag:s29], $0x1  }
0xb3: {  	[sflag:s29] =	ssyncadd.s32 $0xFFFFFFFF  }
0xb4: {  	_ =	strace $0x90000048  }
0xb5: {  	_ =	sfence  }
0xb6: {  	s30 =	sld [smem:$0x0];
	_ =	sdelay $0x2  }
0xb7: {  	s31 =	sshll.u32 s1, $0xD;
	s1 =	sshrl.u32 s1, $0x2  }
0xb8: {  	s3 =	sand.u32 $0x4000, s31;
	s1 =	sadd.s32 s1, s30  }
0xb9: {  	s0 =	sor.u32 s3, s0;
	s1 =	sshll.u32 s1, $0x11  }
0xba: {  	s0 =	sor.u32 s1, s0  }
0xbb: {  	s0 =	sadd.s32 $0x8F2B, s0  }
0xbc: {  	[sflag:s0] =	ssyncadd.remote.s32 $0x1  }
0xbd: {  	_ =	sfence.sel $0xFFFF  }
0xbe: {  	[dreg:$0x0] =	wrdreg $0xFFFFFFFF;
	(pc) =	sbr.abs _section_cstart, $3  }
0xbf: {  	[dreg:$0x1] =	wrdreg $0xFFFFFFFF  }
0xc0: {  	_ =	task.clear_ibuf [dreg:s6], $0x2FFFF;
	_ =	strace $0x9FFFFFFF  }
0xc1: {  	(tm) =	ssettm $0x7FFFFFFF  }
tec
execute0_lowered:
.L_overlay_start_1:
0x0: {  	(tag) =	ssettag $0x1  }
0x1: {  	s0 =	srdreg.scid;
	s5 =	rddreg [dreg:$0x0]  }
0x2: {  	s1 =	stileid.u32;
	s6 =	simm.s32 $0x1;
	s9 =	simm.s32 $0x1  }
0x3: {  	s10 =	simm.s32 $0x3;
	s13 =	simm.s32 $0x0;
	s2 =	sshll.u32 s0, $0x8  }
0x4: {  	s12 =	simm.s32 $0x0;
	s3 =	sshll.u32 s1, $0x9;
	s2 =	sand.u32 $0x100, s2  }
0x5: {  	s0 =	rddreg [dreg:$0x1];
	_ =	strace $0x80000047;
	s2 =	sor.u32 s3, s2  }
0x6: {  	s4 =	sadd.s32 $0x1E00, s5;
	[sflag:s6] =	ssyncpa.u1 $0x0;
	s8 =	ssub.s32 $0x4000, s2  }
.Ltmp0:
0x7: {  	s3 =	sadd.s32 $0x2600, s5;
	s7 =	sand.u32 $0x1F00, s8;
	(pc) =	sbr.rel .LBB2_1-.Ltmp0, $4  }
0x8: {  	s5 =	sadd.s32 $0xF81E00, s5;
	s11 =	smov.u32 s2;
	p0 =	sne.s32 s7, $0x0  }
0x9: {  	s8 =	sshrl.u32 s8, $0xD;
	s7 =	simm.s32 $0x2;
	s9 =	simm.s32 @!p0 $0x0  }
0xa: {  	[sflag:s7] =	ssyncpa.u1 $0x0;
	p0 =	por $0x0, $0x0;
	s8 =	sadd.s32 s9, s8  }
0xb: {  	vm0 =	vmmov $0xffff;
	[sflag:s10] =	ssyncpa.u1 $0x0;
	s10 =	simm.s32 $0x0;
	s9 =	sadd.s32 $0x1, s8  }
.LBB2_4:
0xc: {  	v2 =	vnsel vm1, $0x0, v2  }
0xd: {  	vm1 =	vgt.s32 v0, $0x0;
	v2 =	vmin.u32 v2, $0xF423F  }
0xe: {  	v0 =	vnsel vm1, $0x0, v0  }
0xf: {  	v0 =	vmin.u32 v0, $0xF423F  }
0x10: {  	[tilespmem:s15], [sflag:$0x1] =	stream.indirect_vreg.gather [hbm4b:s3+s10], $0x1, v1, vm0, $0x4038;
	[tilespmem:$0x400] =	vst v63  }
0x11: {  	(ifvalue) =	ssetifvalue $0x7FFFFFFF  }
0x12: {  	[tilespmem:s16], [sflag:$0x1] =	stream.indirect_vreg.gather [hbm4b:s3+s10], $0x1, v2, vm0, $0x4038;
	[tilespmem:$0x400] =	vst v63  }
0x13: {  	s29 =	sadd.s32 $0x10, s16;
	(ifvalue) =	ssetifvalue $0x7FFFFFFF  }
0x14: {  	[tilespmem:s29], [sflag:$0x1] =	stream.indirect_vreg.gather [hbm4b:s3+s10], $0x1, v0, vm0, $0x4038;
	[tilespmem:$0x400] =	vst v63  }
0x15: {  	_ =	swait.ge [sflag:s6], $0x100  }
0x16: {  	s30 =	sshrl.u32 s13, $0x3;
	[sflag:s6] =	ssyncset.done $0x0  }
0x17: {  	s31 =	sand.u32 $0x7, s13;
	s15 =	sadd.s32 s5, s30;
	[sflag:s6] =	ssyncadd.s32 $0xFFFFFF00  }
0x18: {  	[hbm4b:s15+s31] =	stream.linear.scatter [tilespmem:s14], [sflag:$0x3], $0x100, $0x38;
	[tilespmem:$0x400] =	vst v63  }
.LBB2_5:
0x19: {  	s15 =	sadd.s32 $0x2000, s11  }
0x1a: {  	p2 =	sgt.s32 s15, $0x3FFF  }
0x1b: {  	s15 =	smov.u32 @p2 s2;
	p2 =	sne.s32 s12, s9  }
.Ltmp1:
0x1c: {  	p1 =	slt.u32 s12, $0x2;
	(pc) =	sbr.rel @!p2 .LBB2_6-.Ltmp1, $4  }
0x1d: {  	s14 =	simm.s32 @!p1 $0x3  }
0x1e: {  	s16 =	sadd.s32 $0x1, s12;
	_ =	swait.ge @!p1 [sflag:s14], $0x100  }
0x1f: {  	s13 =	smov.u32 s11;
	p0 =	por !p0, !p0;
	[sflag:s14] =	ssyncset.done @!p1 $0x0  }
0x20: {  	s12 =	smov.u32 s16;
	s11 =	smov.u32 s15;
	[sflag:s14] =	ssyncadd.s32 @!p1 $0xFFFFFF00  }
.LBB2_1:
0x21: {  	p1 =	sge.u32 s12, s8  }
0x22: {  	s14 =	sxor.u32 @!p1 $0xFFFFFFFF, s12  }
0x23: {  	s31 =	sadd.s32 $0xFFFFFFFF, s12;
	s15 =	sshrl.u32 @!p1 s11, $0x3;
	s14 =	sshll.u32 @!p1 s14, $0x8  }
0x24: {  	s16 =	sand.u32 @!p1 $0x7, s11;
	s15 =	sadd.s32 @!p1 s4, s15;
	s14 =	sand.u32 @!p1 $0x100, s14  }
0x25: {  	[tilespmem:s14], [sflag:$0x2] =	stream.linear.gather @!p1 [hbm4b:s15+s16], $0x100, $0x38;
	[tilespmem:$0x400] =	vst v63  }
0x26: {  	p1 =	sge.u32 s31, s8  }
.Ltmp2:
0x27: {  	_ = 	snop;
	(pc) =	sbr.rel @p1 .LBB2_5-.Ltmp2, $1  }
0x28: {  	_ =	sdelay $0x3  }
0x29: {  	s14 =	simm.s32 $0x1  }
0x2a: {  	_ =	swait.ge [sflag:s7], $0x100;
	s14 =	simm.s32 @!p0 $0x0  }
0x2b: {  	[sflag:s7] =	ssyncset.done $0x0;
	s14 =	sshll.u32 s14, $0x8  }
0x2c: {  	[sflag:s7] =	ssyncadd.s32 $0xFFFFFF00;
	(ifvalue) =	ssetifvalue $0x7FFFFFFF;
	v0 =	vld.msk [tilespmem:s14+$0x0 ss:$0x1], $0xffff;
	_ =	sdelay $0x4  }
0x2d: {  	s15 =	sadd.s32 $0x10, s14;
	vm1 =	vgt.s32 v0, $0x0  }
0x2e: {  	v2 =	vld.msk [tilespmem:s15+$0x0 ss:$0x1], $0xffff;
	v1 =	vnsel vm1, $0x0, v0  }
0x2f: {  	v1 =	vmin.u32 v1, $0xF423F;
	_ =	sdelay $0x1  }
0x30: {  	s16 =	sshll.u32 s12, $0x8;
	s18 =	simm.s32 $0x20  }
0x31: {  	s16 =	sand.u32 $0x100, s16;
	s17 =	sadd.s32 $0x10, s15;
	s15 =	sor.u32 $0x200, s14  }
0x32: {  	s14 =	sor.u32 $0x200, s16;
	s16 =	sadd.s32 $0x10, s15;
	v0 =	vld.msk [tilespmem:s17+$0x0 ss:$0x1], $0xffff;
	vm1 =	vgt.s32 v2, $0x0;
	(ifvalue) =	ssetifvalue $0x7FFFFFFF  }
.LBB2_3:
0x33: {  	[tilespmem:s15], [sflag:$0x1] =	stream.indirect_vreg.gather [hbm4b:s3+s10], $0x1, v1, vm0, $0x4038;
	[tilespmem:$0x400] =	vst v63  }
0x34: {  	s18 =	sadd.s32 $0x10, s18  }
0x35: {  	v2 =	vnsel vm1, $0x0, v2;
	p1 =	slt.u32 s18, $0xF0  }
.Ltmp3:
0x36: {  	s15 =	smov.u32 s16;
	v1 =	vmin.u32 v2, $0xF423F;
	(pc) =	sbr.rel @p1 .LBB2_3-.Ltmp3, $3  }
0x37: {  	_ =	sdelay $0x1  }
0x38: {  	s17 =	sadd.s32 $0x10, s17  }
0x39: {  	vm1 =	vgt.s32 v0, $0x0;
	s16 =	sadd.s32 $0x10, s16;
	v2 =	vmov v0;
	(ifvalue) =	ssetifvalue $0x7FFFFFFF;
	v0 =	vld.msk [tilespmem:s17+$0x0 ss:$0x1], $0xffff  }
.Ltmp4:
0x3a: {  	_ = 	snop;
	(pc) =	sbr.rel .LBB2_4-.Ltmp4, $1  }
0x3b: {  	_ =	sdelay $0x3  }
.LBB2_6:
0x3c: {  	_ =	sfence.sel $0x180000  }
0x3d: {  	s2 =	simm.s32 $0x2;
	[bflag:$0x0] =	sbarrier.arrive $0xFFFF  }
0x3e: {  	s30 =	simm.s32 $0x3;
	[sflag:s2] =	ssyncpa.u1 $0x1  }
0x3f: {  	s31 =	simm.s32 $0x1;
	[sflag:s30] =	ssyncpa.u1 $0x1  }
0x40: {  	[sflag:s31] =	ssyncpa.u1 $0x1  }
0x41: {  	p0 =	sne.s32 s1, $0x0;
	_ =	strace $0x90000047  }
0x42: {  	s0 =	sadd.s32 @!p0 $0x100000, s0;
	[bflag:$0x2] =	sbarrier.arrive $0xFFFF  }
0x43: {  	[sflag:s0] =	ssyncadd.tile.s32 @!p0 $0x1;
	_ =	shalt  }
.Lfunc_end2:
_tile_overlayer_lowered:
.L_overlay_start_2:
0x44: {  	(tag) =	ssettag $0x2  }
0x45: {  	s0 =	rddreg [dreg:$0x0];
	s2 =	stileid.u32  }
0x46: {  	s1 =	rddreg [dreg:$0x1];
	p0 =	sne.s32 s2, $0x0  }
0x47: {  	s3 =	rddreg [dreg:$0x2];
	[bflag:$0x3] =	sbarrier.arrive $0xFFFF;
	s2 =	simm.s32 @!p0 $0x1C01  }
0x48: {  	[timem:s3], [sflag:s2] =	dma.local @!p0 [hbm:s0], s1  }
0x49: {  	s0 =	simm.s32 @!p0 $0x1  }
0x4a: {  	_ =	swait.ge @!p0 [sflag:s0], s1  }
0x4b: {  	s1 =	ssub.s32 @!p0 $0x0, s1;
	[sflag:s0] =	ssyncset.done @!p0 $0x0  }
0x4c: {  	[sflag:s0] =	ssyncadd.s32 @!p0 s1  }
0x4d: {  	[bflag:$0x3] =	sbarrier.arrive $0xFFFF  }
0x4e: {  	_ =	shalt  }

// kernel: kernel.3.cloned.1.call-start
scs
__scs_entry_jumppad:
0x0: {  	(pc) =	sbr.rel $0x88, $3  }
0x1: {  	(tag) =	ssettag $0x0;
	lr =	simm.s32 $0x1  }
0x2: {  	[smem:$0x3F9B] =	sst lr;
	_ =	strace $0xD0000000  }
0x3: {  	_ = 	snop  }
0x4: {  	_ = 	snop  }
0x5: {  	_ = 	snop  }
0x6: {  	_ = 	snop  }
0x7: {  	_ = 	snop  }
__scs_overlays_trampoline_lowered:
0x8: {  	[smem:$0x3FAA] =	sst s0  }
0x9: {  	[smem:$0x3FAB] =	sst s1  }
0xa: {  	[smem:$0x3FAC] =	sst s2  }
0xb: {  	[smem:$0x3FAD] =	sst s3  }
0xc: {  	[smem:$0x3FAE] =	sst s4  }
0xd: {  	[smem:$0x3FAF] =	sst s5  }
0xe: {  	[smem:$0x3FB0] =	sst s6  }
0xf: {  	[smem:$0x3FB1] =	sst s7  }
0x10: {  	[smem:$0x3FB2] =	sst s8  }
0x11: {  	[smem:$0x3FB3] =	sst s9;
	s0 =	simm.s32 @!p0 $0x0  }
0x12: {  	s1 =	sld [smem:$0x3F99];
	s0 =	simm.s32 @p0 $0x1  }
0x13: {  	[smem:$0x3FB4] =	sst s0;
	s0 =	simm.s32 @!p1 $0x0  }
0x14: {  	s2 =	sld [smem:$0x3F98];
	s0 =	simm.s32 @p1 $0x1  }
0x15: {  	[smem:$0x3FB5] =	sst s0;
	s0 =	simm.s32 @!p2 $0x0  }
0x16: {  	s3 =	sld [smem:$0x3FDB];
	s0 =	simm.s32 @p2 $0x1  }
0x17: {  	s4 =	simm.s32 $0x1BF5;
	[smem:$0x3FB7] =	sst s0  }
0x18: {  	s0 =	sld [smem:$0x3F9A];
	_ =	swait.ge [sflag:s4], $0x0  }
0x19: {  	s7 =	sld [smem:$0x3F9B]  }
0x1a: {  	s8 =	sadd.s32 $0xFFFFE003, lr  }
0x1b: {  	s9 =	sadd.s32 $0xFFFFFEF7, lr;
	s5 =	simm.s32 $0xFFFFFFFF;
	p2 =	slt.u32 s8, $0xFFFFF086  }
0x1c: {  	p1 =	slt.u32 s9, $0xF7A;
	s5 =	simm.s32 @!p2 $0x0  }
0x1d: {  	s5 =	simm.s32 @p1 $0x1;
	p0 =	seq.s32 s7, s2  }
0x1e: {  	s7 =	smul.u32 @!p0 $0xF7A, s2;
	p2 =	seq.s32 @!p0 s5, $0x0  }
0x1f: {  	s9 =	smul.u32 $0xF7A, s1;
	s8 =	simm.s32 @!p0 $0x1BF5;
	p2 =	por !p2, p0  }
0x20: {  	[sflag:s8] =	ssyncset.s32 @!p0 $0xFFFFF086;
	s6 =	sadd.s32 @!p0 s3, s7;
	s7 =	simm.s32 @!p0 $0x108  }
0x21: {  	s3 =	sadd.s32 s3, s9;
	s6 =	sadd.s32 @!p0 $0x88, s6;
	s7 =	simm.s32 @p2 $0x1082  }
0x22: {  	[simem:s7], [sflag:s8] =	dma.local @!p0 [hbm:s6], $0xF7A  }
0x23: {  	s9 =	sor.u32 $0xD0000000, s2;
	s6 =	simm.s32 $0x108;
	_ =	swait.ge @!p0 [sflag:s8], $0x0  }
0x24: {  	s3 =	sadd.s32 $0x88, s3;
	s6 =	simm.s32 @!p1 $0x1082;
	[sflag:s4] =	ssyncset.s32 $0xFFFFF086  }
0x25: {  	[simem:s6], [sflag:s4] =	dma.local [hbm:s3], $0xF7A  }
0x26: {  	[smem:$0x3F9B] =	sst s1;
	(tag) =	ssettag s2;
	_ =	strace s9  }
0x27: {  	s1 =	sld [smem:$0x3FAB]  }
0x28: {  	s2 =	sld [smem:$0x3FAC]  }
0x29: {  	s4 =	sld [smem:$0x3FAE]  }
0x2a: {  	p0 =	seq.s32 s5, $0x0;
	s5 =	sld [smem:$0x3FAF]  }
0x2b: {  	s6 =	sld [smem:$0x3FB0]  }
0x2c: {  	s7 =	sld [smem:$0x3FB1]  }
0x2d: {  	s3 =	simm.s32 $0x108;
	s8 =	sld [smem:$0x3FB2]  }
0x2e: {  	s3 =	simm.s32 @!p0 $0x1082;
	s9 =	sld [smem:$0x3FB3]  }
0x2f: {  	lr =	sadd.s32 s0, s3;
	s0 =	sld [smem:$0x3FAA]  }
0x30: {  	s3 =	sld [smem:$0x3FAD]  }
0x31: {  	[smem:$0x3FB6] =	sst s10  }
0x32: {  	s10 =	sld [smem:$0x3FB4];
	_ =	sdelay $0x3  }
0x33: {  	p0 =	seq.s32 s10, $0x1;
	s10 =	sld [smem:$0x3FB6];
	_ =	sdelay $0x3  }
0x34: {  	[smem:$0x3FB6] =	sst s10  }
0x35: {  	s10 =	sld [smem:$0x3FB5];
	_ =	sdelay $0x3  }
0x36: {  	p1 =	seq.s32 s10, $0x1;
	s10 =	sld [smem:$0x3FB6];
	_ =	sdelay $0x3  }
0x37: {  	[smem:$0x3FB6] =	sst s10  }
0x38: {  	s10 =	sld [smem:$0x3FB7]  }
0x39: {  	_ = 	snop;
	(pc) =	sbr.ind lr, $3  }
0x3a: {  	_ = 	snop  }
0x3b: {  	_ = 	snop  }
0x3c: {  	p2 =	seq.s32 s10, $0x1;
	s10 =	sld [smem:$0x3FB6]  }
0x3d: {  	_ =	shalt  }
0x3e: {  	_ =	shalt  }
0x3f: {  	_ =	shalt  }
0x40: {  	_ =	shalt  }
0x41: {  	_ =	shalt  }
0x42: {  	_ =	shalt  }
0x43: {  	_ =	shalt  }
0x44: {  	_ =	shalt  }
0x45: {  	_ =	shalt  }
0x46: {  	_ =	shalt  }
0x47: {  	_ =	shalt  }
0x48: {  	_ =	shalt  }
0x49: {  	_ =	shalt  }
0x4a: {  	_ =	shalt  }
0x4b: {  	_ =	shalt  }
0x4c: {  	_ =	shalt  }
0x4d: {  	_ =	shalt  }
0x4e: {  	_ =	shalt  }
0x4f: {  	_ =	shalt  }
0x50: {  	_ =	shalt  }
0x51: {  	_ =	shalt  }
0x52: {  	_ =	shalt  }
0x53: {  	_ =	shalt  }
0x54: {  	_ =	shalt  }
0x55: {  	_ =	shalt  }
0x56: {  	_ =	shalt  }
0x57: {  	_ =	shalt  }
0x58: {  	_ =	shalt  }
0x59: {  	_ =	shalt  }
0x5a: {  	_ =	shalt  }
0x5b: {  	_ =	shalt  }
0x5c: {  	_ =	shalt  }
0x5d: {  	_ =	shalt  }
0x5e: {  	_ =	shalt  }
0x5f: {  	_ =	shalt  }
0x60: {  	_ =	shalt  }
0x61: {  	_ =	shalt  }
0x62: {  	_ =	shalt  }
0x63: {  	_ =	shalt  }
0x64: {  	_ =	shalt  }
0x65: {  	_ =	shalt  }
0x66: {  	_ =	shalt  }
0x67: {  	_ =	shalt  }
0x68: {  	_ =	shalt  }
0x69: {  	_ =	shalt  }
0x6a: {  	_ =	shalt  }
0x6b: {  	_ =	shalt  }
0x6c: {  	_ =	shalt  }
0x6d: {  	_ =	shalt  }
0x6e: {  	_ =	shalt  }
0x6f: {  	_ =	shalt  }
0x70: {  	_ =	shalt  }
0x71: {  	_ =	shalt  }
0x72: {  	_ =	shalt  }
0x73: {  	_ =	shalt  }
0x74: {  	_ =	shalt  }
0x75: {  	_ =	shalt  }
0x76: {  	_ =	shalt  }
0x77: {  	_ =	shalt  }
0x78: {  	_ =	shalt  }
0x79: {  	_ =	shalt  }
0x7a: {  	_ =	shalt  }
0x7b: {  	_ =	shalt  }
0x7c: {  	_ =	shalt  }
0x7d: {  	_ =	shalt  }
0x7e: {  	_ =	shalt  }
0x7f: {  	_ =	shalt  }
0x80: {  	_ =	shalt  }
0x81: {  	_ =	shalt  }
0x82: {  	_ =	shalt  }
0x83: {  	_ =	shalt  }
0x84: {  	_ =	shalt  }
0x85: {  	_ =	shalt  }
0x86: {  	_ =	shalt  }
0x87: {  	_ =	shalt  }
.Lfunc_end0:
.L_simem_size_0:
called_computation.2_lowered:
.L_overlay_start_0:
0x88: {  	s2 =	sld [smem:$0x3FD9]  }
0x89: {  	s3 =	sld [smem:$0x3FFE];
	_ =	sdelay $0x1  }
0x8a: {  	s1 =	srdreg.scid  }
0x8b: {  	s0 =	sand.u32 $0x1, s1  }
0x8c: {  	s17 =	sshll.u32 s0, $0xA;
	s2 =	sadd.s32 s3, s2  }
0x8d: {  	s2 =	sadd.s32 s2, s17  }
0x8e: {  	[smem:$0x3FC2] =	sst s2  }
0x8f: {  	_ = 	snop  }
0x90: {  	s2 =	sld [smem:$0x3FD0];
	(tm) =	ssettm $0x1  }
0x91: {  	s18 =	sld [smem:$0x3FFB];
	_ =	sdelay $0x3  }
0x92: {  	_ =	strace s18  }
0x93: {  	s3 =	sld [smem:$0x3FFC];
	_ =	sdelay $0x3  }
0x94: {  	_ =	strace s3  }
0x95: {  	s3 =	sld [smem:$0x3FFD];
	_ =	sdelay $0x3  }
0x96: {  	_ =	strace s3  }
0x97: {  	_ =	strace $0x8FFFFFFF  }
0x98: {  	s19 =	sld [smem:$0x3FDB];
	_ =	sdelay $0x1  }
0x99: {  	s4 =	simm.s32 $_scs_section_size  }
0x9a: {  	s5 =	simm.s32 $_size__tile_overlayer_lowered;
	s6 =	simm.s32 $_tile_overlayer_lowered  }
0x9b: {  	s22 =	simm.s32 $0x1BFF;
	s21 =	sshll.u32 s6, $0x1;
	s3 =	sadd.s32 s4, s19  }
0x9c: {  	s7 =	simm.s32 $0x0;
	s20 =	sshll.u32 s5, $0x1;
	s5 =	sadd.s32 s21, s3  }
0x9d: {  	[timem:s7], [sflag:s22] =	dma.local [hbm:s5], s20  }
0x9e: {  	_ =	swait.ge [sflag:s22], s20  }
0x9f: {  	s4 =	ssub.s32 $0x0, s20;
	[sflag:s22] =	ssyncset.done $0x0  }
0xa0: {  	[sflag:s22] =	ssyncadd.s32 s4;
	_ =	sdelay $0x1  }
0xa1: {  	s23 =	simm.s32 $0x1B8B  }
0xa2: {  	_ =	swait.ge [sflag:s23], $0x1  }
0xa3: {  	[sflag:s23] =	ssyncset.done $0x0  }
0xa4: {  	s25 =	simm.s32 $0x1B8E;
	s24 =	sld [smem:$0x3FFE];
	[sflag:s23] =	ssyncadd.s32 $0xFFFFFFFF  }
0xa5: {  	s26 =	simm.s32 $execute0_lowered;
	[smem:$0x3FD2] =	sst s25  }
0xa6: {  	s5 =	sshll.u32 s26, $0x1;
	_ =	strace $0x8000004C;
	[dreg:$0x1] =	wrdreg $0xFFFFFFFF  }
0xa7: {  	s28 =	simm.s32 $_size_execute0_lowered;
	s3 =	sadd.s32 s3, s5;
	[dreg:$0x0] =	wrdreg $0x0  }
0xa8: {  	s5 =	sshll.u32 s28, $0x1;
	[dreg:$0x2] =	wrdreg s3  }
0xa9: {  	[dreg:$0x3] =	wrdreg s5  }
0xaa: {  	[dreg:$0x4] =	wrdreg $0xC0  }
0xab: {  	_ =	task [dreg:s7], $0x5FFFF  }
0xac: {  	[dreg:$0x1] =	wrdreg $0xFFFFFFFF  }
0xad: {  	[dreg:$0x0] =	wrdreg $0x60  }
0xae: {  	[dreg:$0x2] =	wrdreg s24  }
0xaf: {  	[dreg:$0x3] =	wrdreg s2  }
0xb0: {  	[dreg:$0x4] =	wrdreg $0x9  }
0xb1: {  	_ =	task.clear_ibuf [dreg:s7], $0x5FFFF;
	_ =	strace $0x9000004C  }
0xb2: {  	s29 =	simm.s32 $0x9;
	_ =	strace $0x8000004E  }
0xb3: {  	_ =	swait.ge [sflag:s29], $0x1  }
0xb4: {  	[sflag:s29] =	ssyncadd.s32 $0xFFFFFFFF  }
0xb5: {  	_ =	strace $0x9000004E  }
0xb6: {  	_ =	sfence  }
0xb7: {  	s30 =	sld [smem:$0x0];
	_ =	sdelay $0x2  }
0xb8: {  	s31 =	sshll.u32 s1, $0xD;
	s1 =	sshrl.u32 s1, $0x2  }
0xb9: {  	s3 =	sand.u32 $0x4000, s31;
	s1 =	sadd.s32 s1, s30  }
0xba: {  	s0 =	sor.u32 s3, s0;
	s1 =	sshll.u32 s1, $0x11  }
0xbb: {  	s0 =	sor.u32 s1, s0  }
0xbc: {  	s0 =	sadd.s32 $0x8F2B, s0  }
0xbd: {  	[sflag:s0] =	ssyncadd.remote.s32 $0x1  }
0xbe: {  	_ =	sfence.sel $0xFFFF  }
0xbf: {  	[dreg:$0x0] =	wrdreg $0xFFFFFFFF;
	(pc) =	sbr.abs _section_cstart, $3  }
0xc0: {  	[dreg:$0x1] =	wrdreg $0xFFFFFFFF  }
0xc1: {  	_ =	task.clear_ibuf [dreg:s7], $0x2FFFF;
	_ =	strace $0x9FFFFFFF  }
0xc2: {  	(tm) =	ssettm $0x7FFFFFFF  }
0xc3: {  	_ =	shalt  }
tec
execute0_lowered:
.L_overlay_start_1:
0x0: {  	(tag) =	ssettag $0x1  }
0x1: {  	s0 =	rddreg [dreg:$0x0]  }
0x2: {  	s1 =	rddreg [dreg:$0x1];
	s3 =	srdreg.scid  }
0x3: {  	s7 =	simm.s32 $0x0;
	s2 =	stileid.u32;
	s3 =	sand.u32 $0x1, s3  }
0x4: {  	v0 =	vlaneseq.u32;
	[smem:$0x7FF] =	sst s7;
	s4 =	sshll.u32 s2, $0x7;
	s5 =	sshll.u32 s3, $0x6  }
0x5: {  	s25 =	simm.s32 $0x0;
	v0 =	vmul.u32 $0x11, v0;
	_ =	strace $0x8000004D;
	s5 =	sor.u32 s5, s4  }
0x6: {  	s6 =	ssub.s32 $0x2, s3;
	s9 =	sadd.s32 s5, s0;
	s1 =	sadd.s32 s1, s5  }
0x7: {  	s3 =	sadd.s32 $0x3FA00, s0;
	v1 =	vadd.s32 $0x1, v0;
	v2 =	vadd.s32 $0x2, v0;
	v3 =	vadd.s32 $0x3, v0;
	s29 =	sadd.s32 $0x1600, s9;
	[dreg:$0xf] =	wrdreg s1  }
0x8: {  	s8 =	sshrl.u32 s6, $0x1;
	v4 =	vadd.s32 $0x4, v0;
	v5 =	vadd.s32 $0x5, v0;
	v6 =	vadd.s32 $0x6, v0;
	s30 =	sadd.s32 $0xE00, s9;
	[dreg:$0xc] =	wrdreg s29  }
0x9: {  	v7 =	vadd.s32 $0x7, v0;
	v8 =	vadd.s32 $0x8, v0;
	v9 =	vadd.s32 $0x9, v0;
	s28 =	ssub.s32 s6, s8;
	s31 =	sadd.s32 $0x1E00, s9;
	[dreg:$0xd] =	wrdreg s30  }
0xa: {  	s4 =	sadd.s32 $0xF82600, s0;
	v10 =	vadd.s32 $0xA, v0;
	v11 =	vadd.s32 $0xB, v0;
	v12 =	vadd.s32 $0xC, v0;
	s0 =	smax.u32 s28, $0x1;
	[dreg:$0xe] =	wrdreg s31  }
0xb: {  	s2 =	simm.s32 $0x0;
	v13 =	vadd.s32 $0xD, v0;
	v14 =	vadd.s32 $0xE, v0;
	v15 =	vadd.s32 $0xF, v0;
	s1 =	simm.s32 $0x3;
	[dreg:$0x10] =	wrdreg s0  }
.LBB2_1:
0xc: {  	[dreg:$0x11] =	wrdreg s2  }
0xd: {  	s0 =	rddreg [dreg:$0xc]  }
0xe: {  	[tilespmem:s7], [sflag:$0x3] =	stream.linear.gather [hbm4b:s0+s7], $0x200, $0x38;
	[tilespmem:$0x10980] =	vst v63  }
0xf: {  	_ =	swait.ge [sflag:s1], $0x200  }
0x10: {  	[sflag:s1] =	ssyncset.done $0x0  }
0x11: {  	s29 =	simm.s32 $0x200;
	s28 =	rddreg [dreg:$0xd];
	[sflag:s1] =	ssyncadd.s32 $0xFFFFFE00  }
0x12: {  	[tilespmem:s29], [sflag:$0x3] =	stream.linear.gather [hbm4b:s28+s7], $0x200, $0x38;
	[tilespmem:$0x10980] =	vst v63  }
0x13: {  	_ =	swait.ge [sflag:s1], $0x200  }
0x14: {  	[sflag:s1] =	ssyncset.done $0x0  }
0x15: {  	s31 =	simm.s32 $0x10400;
	s30 =	rddreg [dreg:$0xe];
	[sflag:s1] =	ssyncadd.s32 $0xFFFFFE00  }
0x16: {  	[tilespmem:s31], [sflag:$0x3] =	stream.linear.gather [hbm4b:s30+s7], $0x200, $0x38;
	[tilespmem:$0x10980] =	vst v63  }
0x17: {  	_ =	swait.ge [sflag:s1], $0x200  }
0x18: {  	[sflag:s1] =	ssyncset.done $0x0  }
0x19: {  	p1 =	por $0x1, $0x1;
	s0 =	simm.s32 $0x0;
	[sflag:s1] =	ssyncadd.s32 $0xFFFFFE00  }
.LBB2_2:
0x1a: {  	s0 =	sshll.u32 s0, $0x2  }
0x1b: {  	s2 =	sshra.s32 s0, $0x2  }
0x1c: {  	v16 =	vld [tilespmem:s2+$0x0]  }
0x1d: {  	s0 =	sadd.s32 $0x200, s2  }
0x1e: {  	v18 =	vld [tilespmem:s0+$0x0];
	_ =	sdelay $0x2  }
0x1f: {  	v17 =	vshll.u32 v16, $0x4  }
0x20: {  	(v2sf) =	vpush v17, $0x0  }
0x21: {  	v16 =	vshll.u32 v18, $0x4  }
0x22: {  	(v2sf) =	vpush v16, $0x0;
	_ =	sdelay $0x1  }
0x23: {  	(v2sf) =	vpush v17, $0x1  }
0x24: {  	(v2sf) =	vpush v16, $0x1;
	_ =	sdelay $0x1  }
0x25: {  	(v2sf) =	vpush v17, $0x2;
	_ =	sdelay $0x1  }
0x26: {  	(v2sf) =	vpush v16, $0x2;
	_ =	sdelay $0x1  }
0x27: {  	s20 =	simm.s32 $0x2000;
	s19 =	simm.s32 $0x0;
	s1 =	simm.s32 $0x8400;
	(v2sf) =	vpush v17, $0x3  }
0x28: {  	s6 =	simm.s32 $0x680;
	s5 =	simm.s32 $0x880;
	s8 =	simm.s32 $0x400  }
0x29: {  	s9 =	simm.s32 $0x600;
	s13 =	simm.s32 $0x8900;
	s31 =	simm.s32 $0x480  }
0x2a: {  	s14 =	simm.s32 $0x8480;
	s17 =	simm.s32 $0x500;
	s21 =	simm.s32 $0x8500  }
0x2b: {  	s24 =	simm.s32 $0x8580;
	s29 =	simm.s32 $0xA00;
	(v2sf) =	vpush v16, $0x3;
	s10 =	spop (v2sf)  }
0x2c: {  	s28 =	simm.s32 $0xB00;
	p0 =	por p1, p1;
	s10 =	sand.u32 $0x1FFFFFF0, s10  }
0x2d: {  	[dreg:$0x12] =	wrdreg s2;
	(v2sf) =	vpush v17, $0x4;
	s11 =	spop (v2sf);
	s10 =	sadd.s32 s3, s10  }
0x2e: {  	(v2sf) =	vpush v16, $0x4;
	[tilespmem:s8], [sflag:$0x1] =	stream.linear.gather [hbm4b:s10+s7], $0x80, $0x38;
	[tilespmem:$0x10980] =	vst v63  }
0x2f: {  	s11 =	sand.u32 $0x1FFFFFF0, s11;
	s30 =	spop (v2sf);
	s8 =	simm.s32 $0x580  }
0x30: {  	(v2sf) =	vpush v17, $0x5;
	s11 =	sadd.s32 s4, s11;
	s10 =	sand.u32 $0x1FFFFFF0, s30;
	s12 =	spop (v2sf)  }
0x31: {  	[tilespmem:s1], [sflag:$0x2] =	stream.linear.gather [hbm4b:s11+s7], $0x80, $0x38;
	[tilespmem:$0x10980] =	vst v63  }
0x32: {  	s10 =	sadd.s32 s3, s10;
	s11 =	sand.u32 $0x1FFFFFF0, s12;
	s12 =	spop (v2sf)  }
0x33: {  	(v2sf) =	vpush v16, $0x5;
	[tilespmem:s31], [sflag:$0x1] =	stream.linear.gather [hbm4b:s10+s7], $0x80, $0x38;
	[tilespmem:$0x10980] =	vst v63  }
0x34: {  	(v2sf) =	vpush v17, $0x6;
	s15 =	sadd.s32 s4, s11;
	s16 =	sand.u32 $0x1FFFFFF0, s12;
	s18 =	spop (v2sf)  }
0x35: {  	[tilespmem:s14], [sflag:$0x2] =	stream.linear.gather [hbm4b:s15+s7], $0x80, $0x38;
	[tilespmem:$0x10980] =	vst v63  }
0x36: {  	(v2sf) =	vpush v16, $0x6;
	s11 =	sadd.s32 s3, s16;
	s10 =	sand.u32 $0x1FFFFFF0, s18;
	s22 =	spop (v2sf)  }
0x37: {  	[tilespmem:s17], [sflag:$0x1] =	stream.linear.gather [hbm4b:s11+s7], $0x80, $0x38;
	[tilespmem:$0x10980] =	vst v63  }
0x38: {  	s12 =	simm.s32 $0x8600;
	s10 =	sadd.s32 s4, s10;
	s11 =	sand.u32 $0x1FFFFFF0, s22  }
0x39: {  	[tilespmem:s21], [sflag:$0x2] =	stream.linear.gather [hbm4b:s10+s7], $0x80, $0x38;
	[tilespmem:$0x10980] =	vst v63  }
0x3a: {  	(v2sf) =	vpush v17, $0x7;
	s16 =	simm.s32 $0x8A00;
	s23 =	spop (v2sf);
	s26 =	sadd.s32 s3, s11  }
0x3b: {  	[tilespmem:s8], [sflag:$0x1] =	stream.linear.gather [hbm4b:s26+s7], $0x80, $0x38;
	[tilespmem:$0x10980] =	vst v63  }
0x3c: {  	s30 =	sand.u32 $0x1FFFFFF0, s23;
	s23 =	simm.s32 $0x700;
	s31 =	spop (v2sf)  }
0x3d: {  	s11 =	sadd.s32 s4, s30;
	s8 =	sand.u32 $0x1FFFFFF0, s31;
	s14 =	spop (v2sf)  }
0x3e: {  	(v2sf) =	vpush v16, $0x7;
	[tilespmem:s24], [sflag:$0x2] =	stream.linear.gather [hbm4b:s11+s7], $0x80, $0x38;
	[tilespmem:$0x10980] =	vst v63  }
0x3f: {  	s21 =	simm.s32 $0x8680;
	(v2sf) =	vpush v17, $0x8;
	s8 =	sadd.s32 s3, s8;
	s15 =	spop (v2sf)  }
0x40: {  	s1 =	sand.u32 $0x1FFFFFF0, s14;
	s14 =	simm.s32 $0xA80;
	s18 =	sand.u32 $0x1FFFFFF0, s15  }
0x41: {  	(v2sf) =	vpush v16, $0x8;
	[tilespmem:s9], [sflag:$0x1] =	stream.linear.gather [hbm4b:s8+s7], $0x80, $0x38;
	[tilespmem:$0x10980] =	vst v63  }
0x42: {  	s17 =	sadd.s32 s4, s1;
	s22 =	spop (v2sf);
	s9 =	sadd.s32 s3, s18  }
0x43: {  	(v2sf) =	vpush v17, $0x9;
	s24 =	sand.u32 $0x1FFFFFF0, s22;
	s18 =	simm.s32 $0x8780;
	s26 =	spop (v2sf)  }
0x44: {  	(v2sf) =	vpush v16, $0x9;
	[tilespmem:s12], [sflag:$0x2] =	stream.linear.gather [hbm4b:s17+s7], $0x80, $0x38;
	[tilespmem:$0x10980] =	vst v63  }
0x45: {  	s8 =	simm.s32 $0x8A80;
	s10 =	sand.u32 $0x1FFFFFF0, s26;
	s30 =	spop (v2sf)  }
0x46: {  	(v2sf) =	vpush v17, $0xA;
	[tilespmem:s6], [sflag:$0x1] =	stream.linear.gather [hbm4b:s9+s7], $0x80, $0x38;
	[tilespmem:$0x10980] =	vst v63  }
0x47: {  	s12 =	simm.s32 $0x780;
	s26 =	simm.s32 $0x8800;
	s6 =	sadd.s32 s4, s24  }
0x48: {  	[tilespmem:s21], [sflag:$0x2] =	stream.linear.gather [hbm4b:s6+s7], $0x80, $0x38;
	[tilespmem:$0x10980] =	vst v63  }
0x49: {  	s31 =	sadd.s32 s3, s10;
	s1 =	sand.u32 $0x1FFFFFF0, s30;
	s11 =	spop (v2sf)  }
0x4a: {  	(v2sf) =	vpush v16, $0xA;
	[tilespmem:s23], [sflag:$0x1] =	stream.linear.gather [hbm4b:s31+s7], $0x80, $0x38;
	[tilespmem:$0x10980] =	vst v63  }
0x4b: {  	s9 =	simm.s32 $0x8700;
	s10 =	sadd.s32 s4, s1;
	s6 =	simm.s32 $0x8980  }
0x4c: {  	(v2sf) =	vpush v17, $0xB;
	[tilespmem:s9], [sflag:$0x2] =	stream.linear.gather [hbm4b:s10+s7], $0x80, $0x38;
	[tilespmem:$0x10980] =	vst v63  }
0x4d: {  	s23 =	simm.s32 $0x800;
	s9 =	sand.u32 $0x1FFFFFF0, s11;
	s15 =	spop (v2sf)  }
0x4e: {  	s9 =	sadd.s32 s3, s9;
	(v2sf) =	vpush v16, $0xB;
	s10 =	sand.u32 $0x1FFFFFF0, s15;
	s17 =	spop (v2sf)  }
0x4f: {  	[tilespmem:s12], [sflag:$0x1] =	stream.linear.gather [hbm4b:s9+s7], $0x80, $0x38;
	[tilespmem:$0x10980] =	vst v63  }
0x50: {  	s12 =	simm.s32 $0x8880;
	s21 =	sadd.s32 s4, s10;
	s24 =	spop (v2sf)  }
0x51: {  	[tilespmem:s18], [sflag:$0x2] =	stream.linear.gather [hbm4b:s21+s7], $0x80, $0x38;
	[tilespmem:$0x10980] =	vst v63  }
0x52: {  	(v2sf) =	vpush v17, $0xC;
	s22 =	sand.u32 $0x1FFFFFF0, s17;
	s17 =	simm.s32 $0x900;
	s30 =	spop (v2sf)  }
0x53: {  	s10 =	sadd.s32 s3, s22;
	s9 =	sand.u32 $0x1FFFFFF0, s24;
	s31 =	spop (v2sf)  }
0x54: {  	(v2sf) =	vpush v16, $0xC;
	[tilespmem:s23], [sflag:$0x1] =	stream.linear.gather [hbm4b:s10+s7], $0x80, $0x38;
	[tilespmem:$0x10980] =	vst v63  }
0x55: {  	s9 =	sadd.s32 s4, s9;
	s10 =	sand.u32 $0x1FFFFFF0, s30;
	s15 =	spop (v2sf)  }
0x56: {  	[tilespmem:s26], [sflag:$0x2] =	stream.linear.gather [hbm4b:s9+s7], $0x80, $0x38;
	[tilespmem:$0x10980] =	vst v63  }
0x57: {  	s11 =	sand.u32 $0x1FFFFFF0, s31;
	s10 =	sadd.s32 s3, s10;
	s1 =	sand.u32 $0x1FFFFFF0, s15  }
0x58: {  	[tilespmem:s5], [sflag:$0x1] =	stream.linear.gather [hbm4b:s10+s7], $0x80, $0x38;
	[tilespmem:$0x10980] =	vst v63  }
0x59: {  	s18 =	spop (v2sf);
	s9 =	sadd.s32 s4, s11;
	s1 =	sadd.s32 s3, s1  }
0x5a: {  	[tilespmem:s12], [sflag:$0x2] =	stream.linear.gather [hbm4b:s9+s7], $0x80, $0x38;
	[tilespmem:$0x10980] =	vst v63  }
0x5b: {  	s21 =	spop (v2sf);
	s26 =	simm.s32 $0x980;
	s9 =	sand.u32 $0x1FFFFFF0, s18  }
0x5c: {  	[tilespmem:s17], [sflag:$0x1] =	stream.linear.gather [hbm4b:s1+s7], $0x80, $0x38;
	[tilespmem:$0x10980] =	vst v63  }
0x5d: {  	s23 =	sand.u32 $0x1FFFFFF0, s21;
	s22 =	sadd.s32 s4, s9;
	s24 =	spop (v2sf)  }
0x5e: {  	[tilespmem:s13], [sflag:$0x2] =	stream.linear.gather [hbm4b:s22+s7], $0x80, $0x38;
	(v2sf) =	vpush v17, $0xD;
	[tilespmem:$0x10980] =	vst v63  }
0x5f: {  	s1 =	sadd.s32 s3, s23;
	s23 =	sadd.s32 $0x10, s2;
	s9 =	sand.u32 $0x1FFFFFF0, s24;
	(v2sf) =	vpush v16, $0xD  }
0x60: {  	[tilespmem:s26], [sflag:$0x1] =	stream.linear.gather [hbm4b:s1+s7], $0x80, $0x38;
	(v2sf) =	vpush v17, $0xE;
	[tilespmem:$0x10980] =	vst v63  }
0x61: {  	s24 =	sadd.s32 $0x10, s0;
	s31 =	spop (v2sf);
	s30 =	sadd.s32 s4, s9;
	(v2sf) =	vpush v16, $0xE  }
0x62: {  	[tilespmem:s6], [sflag:$0x2] =	stream.linear.gather [hbm4b:s30+s7], $0x80, $0x38;
	(v2sf) =	vpush v17, $0xF;
	[tilespmem:$0x10980] =	vst v63  }
0x63: {  	s26 =	simm.s32 $0x8B00;
	s0 =	sand.u32 $0x1FFFFFF0, s31;
	s5 =	spop (v2sf);
	(v2sf) =	vpush v16, $0xF  }
.LBB2_3:
0x64: {  	_ =	sdelay $0x4  }
0x65: {  	s0 =	sadd.s32 s3, s0;
	s5 =	sand.u32 $0x1FFFFFF0, s5  }
0x66: {  	[tilespmem:s29], [sflag:$0x1] =	stream.linear.gather [hbm4b:s0+s7], $0x80, $0x38;
	[tilespmem:$0x10980] =	vst v63  }
0x67: {  	s31 =	sadd.s32 s4, s5  }
0x68: {  	[tilespmem:s16], [sflag:$0x2] =	stream.linear.gather [hbm4b:s31+s7], $0x80, $0x38;
	[tilespmem:$0x10980] =	vst v63  }
0x69: {  	s6 =	spop (v2sf)  }
0x6a: {  	s1 =	sand.u32 $0x1FFFFFF0, s6;
	s2 =	spop (v2sf)  }
0x6b: {  	s9 =	sadd.s32 s3, s1;
	s1 =	sand.u32 $0x1FFFFFF0, s2;
	s10 =	spop (v2sf)  }
0x6c: {  	[tilespmem:s14], [sflag:$0x1] =	stream.linear.gather [hbm4b:s9+s7], $0x80, $0x38;
	[tilespmem:$0x10980] =	vst v63  }
0x6d: {  	s11 =	sadd.s32 s4, s1;
	s12 =	sand.u32 $0x1FFFFFF0, s10;
	s13 =	spop (v2sf)  }
0x6e: {  	[tilespmem:s8], [sflag:$0x2] =	stream.linear.gather [hbm4b:s11+s7], $0x80, $0x38;
	[tilespmem:$0x10980] =	vst v63  }
0x6f: {  	s14 =	sadd.s32 s3, s12;
	s15 =	sand.u32 $0x1FFFFFF0, s13;
	s16 =	spop (v2sf)  }
0x70: {  	[tilespmem:s28], [sflag:$0x1] =	stream.linear.gather [hbm4b:s14+s7], $0x80, $0x38;
	[tilespmem:$0x10980] =	vst v63  }
0x71: {  	s17 =	sadd.s32 s4, s15;
	s18 =	sand.u32 $0x1FFFFFF0, s16;
	s21 =	spop (v2sf)  }
0x72: {  	[tilespmem:s26], [sflag:$0x2] =	stream.linear.gather [hbm4b:s17+s7], $0x80, $0x38;
	[tilespmem:$0x10980] =	vst v63  }
0x73: {  	s22 =	sadd.s32 $0xB80, s19;
	s1 =	sadd.s32 s3, s18;
	s5 =	sand.u32 $0x1FFFFFF0, s21  }
0x74: {  	[tilespmem:s22], [sflag:$0x1] =	stream.linear.gather [hbm4b:s1+s7], $0x80, $0x38;
	[tilespmem:$0x10980] =	vst v63  }
0x75: {  	s30 =	sadd.s32 s4, s5;
	s26 =	sadd.s32 $0x8B80, s19  }
0x76: {  	[tilespmem:s26], [sflag:$0x2] =	stream.linear.gather [hbm4b:s30+s7], $0x80, $0x38;
	[tilespmem:$0x10980] =	vst v63  }
0x77: {  	v16 =	vld [tilespmem:s23+$0x0]  }
0x78: {  	v18 =	vld [tilespmem:s24+$0x0];
	_ =	sdelay $0x3  }
0x79: {  	v17 =	vshll.u32 v16, $0x4  }
0x7a: {  	s31 =	smov.u32 s20;
	v16 =	vshll.u32 v18, $0x4;
	(v2sf) =	vpush v17, $0x0  }
0x7b: {  	s19 =	sshra.s32 s31, $0x2;
	(v2sf) =	vpush v16, $0x0  }
0x7c: {  	p1 =	sne.s32 s20, $0x1E000;
	s20 =	sadd.s32 $0x2000, s20;
	s31 =	sadd.s32 $0x8400, s19;
	(v2sf) =	vpush v17, $0x1  }
0x7d: {  	s0 =	sadd.s32 $0x680, s19;
	s13 =	sadd.s32 $0x600, s19;
	s2 =	sadd.s32 $0x8900, s19  }
0x7e: {  	s15 =	sadd.s32 $0x580, s19;
	s18 =	sadd.s32 $0x8580, s19;
	s16 =	sadd.s32 $0x8A00, s19;
	(v2sf) =	vpush v16, $0x1  }
0x7f: {  	s21 =	sadd.s32 $0x500, s19;
	s14 =	sadd.s32 $0xA80, s19;
	s17 =	sadd.s32 $0x8680, s19  }
0x80: {  	s10 =	sadd.s32 $0x700, s19;
	s8 =	sadd.s32 $0x8A80, s19;
	[dreg:$0xb] =	wrdreg s0;
	(v2sf) =	vpush v17, $0x2  }
0x81: {  	s9 =	sadd.s32 $0x8700, s19;
	s5 =	sadd.s32 $0x8880, s19;
	[dreg:$0x3] =	wrdreg s2  }
0x82: {  	s6 =	sadd.s32 $0x900, s19;
	s11 =	sadd.s32 $0x8800, s19;
	[dreg:$0x7] =	wrdreg s5;
	(v2sf) =	vpush v16, $0x2  }
0x83: {  	s29 =	sadd.s32 $0xA00, s19;
	s12 =	sadd.s32 $0x800, s19;
	[dreg:$0x6] =	wrdreg s6  }
0x84: {  	s28 =	sadd.s32 $0xB00, s19;
	s1 =	sadd.s32 $0x880, s19;
	[dreg:$0x9] =	wrdreg s11;
	(v2sf) =	vpush v17, $0x3  }
0x85: {  	s0 =	sadd.s32 $0x8500, s19;
	s2 =	sadd.s32 $0x8980, s19;
	[dreg:$0xa] =	wrdreg s12  }
0x86: {  	s5 =	sadd.s32 $0x780, s19;
	s11 =	sadd.s32 $0x480, s19;
	[dreg:$0x5] =	wrdreg s1;
	(v2sf) =	vpush v16, $0x3  }
0x87: {  	s6 =	sadd.s32 $0x8780, s19;
	s22 =	sadd.s32 $0x980, s19;
	[dreg:$0x4] =	wrdreg s2  }
0x88: {  	s1 =	sadd.s32 $0x400, s19;
	[dreg:$0x8] =	wrdreg s22;
	s7 =	sadd.s32 $0x8600, s19;
	(v2sf) =	vpush v17, $0x4  }
0x89: {  	s30 =	sadd.s32 $0x8480, s19;
	s26 =	sadd.s32 $0x8B00, s19;
	s12 =	spop (v2sf)  }
0x8a: {  	s23 =	sadd.s32 $0x10, s23;
	s12 =	sand.u32 $0x1FFFFFF0, s12;
	s22 =	spop (v2sf);
	(v2sf) =	vpush v16, $0x4  }
0x8b: {  	s12 =	sadd.s32 s3, s12;
	s22 =	sand.u32 $0x1FFFFFF0, s22;
	s2 =	spop (v2sf)  }
0x8c: {  	(v2sf) =	vpush v17, $0x5;
	[tilespmem:s1], [sflag:$0x1] =	stream.linear.gather [hbm4b:s12+s25], $0x80, $0x38;
	[tilespmem:$0x10980] =	vst v63  }
0x8d: {  	s12 =	sadd.s32 s4, s22;
	s2 =	sand.u32 $0x1FFFFFF0, s2;
	s22 =	spop (v2sf);
	(v2sf) =	vpush v16, $0x5  }
0x8e: {  	[tilespmem:s31], [sflag:$0x2] =	stream.linear.gather [hbm4b:s12+s25], $0x80, $0x38;
	[tilespmem:$0x10980] =	vst v63  }
0x8f: {  	s2 =	sadd.s32 s3, s2;
	s22 =	sand.u32 $0x1FFFFFF0, s22;
	s31 =	spop (v2sf);
	(v2sf) =	vpush v17, $0x6  }
0x90: {  	[tilespmem:s11], [sflag:$0x1] =	stream.linear.gather [hbm4b:s2+s25], $0x80, $0x38;
	[tilespmem:$0x10980] =	vst v63  }
0x91: {  	s12 =	spop (v2sf);
	(v2sf) =	vpush v16, $0x6;
	s2 =	sadd.s32 s4, s22;
	s11 =	sand.u32 $0x1FFFFFF0, s31  }
0x92: {  	[tilespmem:s30], [sflag:$0x2] =	stream.linear.gather [hbm4b:s2+s25], $0x80, $0x38;
	[tilespmem:$0x10980] =	vst v63  }
0x93: {  	s31 =	spop (v2sf);
	(v2sf) =	vpush v17, $0x7;
	s22 =	sadd.s32 s3, s11;
	s30 =	sand.u32 $0x1FFFFFF0, s12  }
0x94: {  	[tilespmem:s21], [sflag:$0x1] =	stream.linear.gather [hbm4b:s22+s25], $0x80, $0x38;
	[tilespmem:$0x10980] =	vst v63  }
0x95: {  	s12 =	sand.u32 $0x1FFFFFF0, s31;
	s2 =	sadd.s32 s4, s30;
	s21 =	spop (v2sf);
	(v2sf) =	vpush v16, $0x7  }
0x96: {  	[tilespmem:s0], [sflag:$0x2] =	stream.linear.gather [hbm4b:s2+s25], $0x80, $0x38;
	[tilespmem:$0x10980] =	vst v63  }
0x97: {  	s22 =	sadd.s32 s3, s12;
	s30 =	sand.u32 $0x1FFFFFF0, s21;
	s31 =	spop (v2sf);
	(v2sf) =	vpush v17, $0x8  }
0x98: {  	[tilespmem:s15], [sflag:$0x1] =	stream.linear.gather [hbm4b:s22+s25], $0x80, $0x38;
	[tilespmem:$0x10980] =	vst v63  }
0x99: {  	s1 =	sadd.s32 s4, s30;
	s11 =	sand.u32 $0x1FFFFFF0, s31;
	s12 =	spop (v2sf)  }
0x9a: {  	[tilespmem:s18], [sflag:$0x2] =	stream.linear.gather [hbm4b:s1+s25], $0x80, $0x38;
	[tilespmem:$0x10980] =	vst v63  }
0x9b: {  	s15 =	sadd.s32 s3, s11;
	s18 =	sand.u32 $0x1FFFFFF0, s12;
	s21 =	spop (v2sf)  }
0x9c: {  	(v2sf) =	vpush v16, $0x8;
	s22 =	sadd.s32 s4, s18;
	s30 =	sand.u32 $0x1FFFFFF0, s21;
	s31 =	spop (v2sf)  }
0x9d: {  	[tilespmem:s13], [sflag:$0x1] =	stream.linear.gather [hbm4b:s15+s25], $0x80, $0x38;
	[tilespmem:$0x10980] =	vst v63  }
0x9e: {  	(v2sf) =	vpush v17, $0x9;
	s1 =	sadd.s32 s3, s30;
	s2 =	sand.u32 $0x1FFFFFF0, s31;
	s12 =	spop (v2sf)  }
0x9f: {  	(v2sf) =	vpush v16, $0x9;
	[tilespmem:s7], [sflag:$0x2] =	stream.linear.gather [hbm4b:s22+s25], $0x80, $0x38;
	[tilespmem:$0x10980] =	vst v63  }
0xa0: {  	s13 =	rddreg [dreg:$0xb];
	s7 =	simm.s32 $0x0;
	s21 =	spop (v2sf)  }
0xa1: {  	[tilespmem:s13], [sflag:$0x1] =	stream.linear.gather [hbm4b:s1+s7], $0x80, $0x38;
	[tilespmem:$0x10980] =	vst v63  }
0xa2: {  	s15 =	sadd.s32 s4, s2;
	s18 =	sand.u32 $0x1FFFFFF0, s12;
	s31 =	spop (v2sf)  }
0xa3: {  	(v2sf) =	vpush v17, $0xA;
	[tilespmem:s17], [sflag:$0x2] =	stream.linear.gather [hbm4b:s15+s7], $0x80, $0x38;
	[tilespmem:$0x10980] =	vst v63  }
0xa4: {  	s22 =	sadd.s32 s3, s18;
	s30 =	sand.u32 $0x1FFFFFF0, s21;
	s11 =	spop (v2sf)  }
0xa5: {  	(v2sf) =	vpush v16, $0xA;
	[tilespmem:s10], [sflag:$0x1] =	stream.linear.gather [hbm4b:s22+s7], $0x80, $0x38;
	[tilespmem:$0x10980] =	vst v63  }
0xa6: {  	s24 =	sadd.s32 $0x10, s24;
	s1 =	sadd.s32 s4, s30;
	s15 =	spop (v2sf)  }
0xa7: {  	(v2sf) =	vpush v17, $0xB;
	s10 =	sand.u32 $0x1FFFFFF0, s31;
	s13 =	sand.u32 $0x1FFFFFF0, s11;
	s18 =	sand.u32 $0x1FFFFFF0, s15  }
0xa8: {  	[tilespmem:s9], [sflag:$0x2] =	stream.linear.gather [hbm4b:s1+s7], $0x80, $0x38;
	[tilespmem:$0x10980] =	vst v63  }
0xa9: {  	s12 =	sadd.s32 s3, s10;
	s22 =	sadd.s32 s3, s18;
	s18 =	rddreg [dreg:$0x5]  }
0xaa: {  	[tilespmem:s5], [sflag:$0x1] =	stream.linear.gather [hbm4b:s12+s7], $0x80, $0x38;
	[tilespmem:$0x10980] =	vst v63  }
0xab: {  	(v2sf) =	vpush v16, $0xB;
	s17 =	sadd.s32 s4, s13;
	s21 =	spop (v2sf);
	s12 =	rddreg [dreg:$0x9]  }
0xac: {  	(v2sf) =	vpush v17, $0xC;
	[tilespmem:s6], [sflag:$0x2] =	stream.linear.gather [hbm4b:s17+s7], $0x80, $0x38;
	[tilespmem:$0x10980] =	vst v63  }
0xad: {  	s30 =	sand.u32 $0x1FFFFFF0, s21;
	s31 =	spop (v2sf);
	s6 =	rddreg [dreg:$0xa]  }
0xae: {  	(v2sf) =	vpush v16, $0xC;
	s9 =	sadd.s32 s4, s30;
	s10 =	sand.u32 $0x1FFFFFF0, s31;
	s11 =	spop (v2sf)  }
0xaf: {  	[tilespmem:s6], [sflag:$0x1] =	stream.linear.gather [hbm4b:s22+s7], $0x80, $0x38;
	[tilespmem:$0x10980] =	vst v63  }
0xb0: {  	s31 =	rddreg [dreg:$0x7];
	s13 =	sadd.s32 s3, s10;
	s15 =	sand.u32 $0x1FFFFFF0, s11  }
0xb1: {  	[tilespmem:s12], [sflag:$0x2] =	stream.linear.gather [hbm4b:s9+s7], $0x80, $0x38;
	[tilespmem:$0x10980] =	vst v63  }
0xb2: {  	s11 =	rddreg [dreg:$0x6];
	s17 =	spop (v2sf);
	s21 =	sadd.s32 s4, s15  }
0xb3: {  	[tilespmem:s18], [sflag:$0x1] =	stream.linear.gather [hbm4b:s13+s7], $0x80, $0x38;
	[tilespmem:$0x10980] =	vst v63  }
0xb4: {  	s22 =	sand.u32 $0x1FFFFFF0, s17;
	s30 =	spop (v2sf);
	s17 =	rddreg [dreg:$0x3]  }
0xb5: {  	[tilespmem:s31], [sflag:$0x2] =	stream.linear.gather [hbm4b:s21+s7], $0x80, $0x38;
	[tilespmem:$0x10980] =	vst v63  }
0xb6: {  	s6 =	sadd.s32 s3, s22;
	s9 =	sand.u32 $0x1FFFFFF0, s30;
	s10 =	spop (v2sf)  }
0xb7: {  	[tilespmem:s11], [sflag:$0x1] =	stream.linear.gather [hbm4b:s6+s7], $0x80, $0x38;
	[tilespmem:$0x10980] =	vst v63  }
0xb8: {  	s30 =	rddreg [dreg:$0x8];
	s12 =	sadd.s32 s4, s9;
	s13 =	sand.u32 $0x1FFFFFF0, s10  }
0xb9: {  	(v2sf) =	vpush v17, $0xD;
	[tilespmem:s17], [sflag:$0x2] =	stream.linear.gather [hbm4b:s12+s7], $0x80, $0x38;
	[tilespmem:$0x10980] =	vst v63  }
.Ltmp0:
0xba: {  	(v2sf) =	vpush v16, $0xD;
	s18 =	sadd.s32 s3, s13;
	s15 =	spop (v2sf);
	(pc) =	sbr.rel @p1 .LBB2_3-.Ltmp0, $4  }
0xbb: {  	(v2sf) =	vpush v17, $0xE;
	s31 =	rddreg [dreg:$0x4];
	s21 =	sand.u32 $0x1FFFFFF0, s15;
	s22 =	spop (v2sf)  }
0xbc: {  	(v2sf) =	vpush v16, $0xE;
	[tilespmem:s30], [sflag:$0x1] =	stream.linear.gather [hbm4b:s18+s7], $0x80, $0x38;
	[tilespmem:$0x10980] =	vst v63  }
0xbd: {  	(v2sf) =	vpush v17, $0xF;
	s1 =	sadd.s32 s4, s21;
	s0 =	sand.u32 $0x1FFFFFF0, s22;
	s5 =	spop (v2sf)  }
0xbe: {  	(v2sf) =	vpush v16, $0xF;
	[tilespmem:s31], [sflag:$0x2] =	stream.linear.gather [hbm4b:s1+s7], $0x80, $0x38;
	[tilespmem:$0x10980] =	vst v63  }
0xbf: {  	_ =	sdelay $0x4  }
0xc0: {  	s0 =	sadd.s32 s3, s0;
	s1 =	sand.u32 $0x1FFFFFF0, s5  }
0xc1: {  	[tilespmem:s29], [sflag:$0x1] =	stream.linear.gather [hbm4b:s0+s7], $0x80, $0x38;
	[tilespmem:$0x10980] =	vst v63  }
0xc2: {  	s5 =	sadd.s32 s4, s1  }
0xc3: {  	[tilespmem:s16], [sflag:$0x2] =	stream.linear.gather [hbm4b:s5+s7], $0x80, $0x38;
	[tilespmem:$0x10980] =	vst v63  }
0xc4: {  	s2 =	spop (v2sf)  }
0xc5: {  	s6 =	sand.u32 $0x1FFFFFF0, s2;
	s9 =	spop (v2sf)  }
0xc6: {  	s10 =	sadd.s32 s3, s6;
	s11 =	sand.u32 $0x1FFFFFF0, s9;
	s12 =	spop (v2sf)  }
0xc7: {  	[tilespmem:s14], [sflag:$0x1] =	stream.linear.gather [hbm4b:s10+s7], $0x80, $0x38;
	[tilespmem:$0x10980] =	vst v63  }
0xc8: {  	s13 =	sadd.s32 s4, s11;
	s14 =	sand.u32 $0x1FFFFFF0, s12;
	s15 =	spop (v2sf)  }
0xc9: {  	[tilespmem:s8], [sflag:$0x2] =	stream.linear.gather [hbm4b:s13+s7], $0x80, $0x38;
	[tilespmem:$0x10980] =	vst v63  }
0xca: {  	s16 =	sadd.s32 s3, s14;
	s17 =	sand.u32 $0x1FFFFFF0, s15;
	s18 =	spop (v2sf)  }
0xcb: {  	[tilespmem:s28], [sflag:$0x1] =	stream.linear.gather [hbm4b:s16+s7], $0x80, $0x38;
	[tilespmem:$0x10980] =	vst v63  }
0xcc: {  	s20 =	sadd.s32 s4, s17;
	s21 =	sand.u32 $0x1FFFFFF0, s18;
	s22 =	spop (v2sf)  }
0xcd: {  	[tilespmem:s26], [sflag:$0x2] =	stream.linear.gather [hbm4b:s20+s7], $0x80, $0x38;
	[tilespmem:$0x10980] =	vst v63  }
0xce: {  	s23 =	sadd.s32 $0xB80, s19;
	s1 =	sadd.s32 s3, s21;
	s2 =	sand.u32 $0x1FFFFFF0, s22  }
0xcf: {  	[tilespmem:s23], [sflag:$0x1] =	stream.linear.gather [hbm4b:s1+s7], $0x80, $0x38;
	[tilespmem:$0x10980] =	vst v63  }
0xd0: {  	s24 =	sadd.s32 $0x8B80, s19;
	s28 =	simm.s32 $0x1;
	s26 =	sadd.s32 s4, s2  }
0xd1: {  	[tilespmem:s24], [sflag:$0x2] =	stream.linear.gather [hbm4b:s26+s7], $0x80, $0x38;
	[tilespmem:$0x10980] =	vst v63  }
0xd2: {  	_ =	swait.ge [sflag:s28], $0x8000  }
0xd3: {  	[sflag:s28] =	ssyncset.done $0x0  }
0xd4: {  	s29 =	simm.s32 $0x2;
	[sflag:s28] =	ssyncadd.s32 $0xFFFF8000  }
0xd5: {  	_ =	swait.ge [sflag:s29], $0x8000  }
0xd6: {  	[sflag:s29] =	ssyncset.done $0x0  }
0xd7: {  	s19 =	simm.s32 $0x800;
	[sflag:s29] =	ssyncadd.s32 $0xFFFF8000  }
0xd8: {  	s20 =	simm.s32 $0x8800;
	v16 =	vld [tilespmem:s19+$0xFFFFFC00]  }
0xd9: {  	v17 =	vld [tilespmem:s20+$0xFFFFFC10]  }
0xda: {  	v18 =	vld [tilespmem:s20+$0xFFFFFC00]  }
0xdb: {  	v19 =	vld [tilespmem:s19+$0xFFFFFC10];
	_ =	sdelay $0x4  }
0xdc: {  	v16 =	vmul.f32 v18, v16;
	v17 =	vmul.f32 v17, v19;
	_ =	sdelay $0x1  }
0xdd: {  	v16 =	vadd.f32 v17, v16  }
0xde: {  	s2 =	simm.s32 $0x10600  }
0xdf: {  	[tilespmem:v0+s2+$0x0] =	vst.idx.msk $0xffff, v16  }
0xe0: {  	v16 =	vld [tilespmem:s20+$0xFFFFFC90]  }
0xe1: {  	v17 =	vld [tilespmem:s20+$0xFFFFFC80]  }
0xe2: {  	v18 =	vld [tilespmem:s19+$0xFFFFFC90]  }
0xe3: {  	v19 =	vld [tilespmem:s19+$0xFFFFFC80];
	_ =	sdelay $0x4  }
0xe4: {  	v16 =	vmul.f32 v16, v18;
	v17 =	vmul.f32 v17, v19;
	_ =	sdelay $0x1  }
0xe5: {  	v16 =	vadd.f32 v16, v17;
	_ =	sdelay $0x1  }
0xe6: {  	[tilespmem:v1+s2+$0x0] =	vst.idx.msk $0xffff, v16  }
0xe7: {  	v16 =	vld [tilespmem:s20+$0xFFFFFD00]  }
0xe8: {  	v17 =	vld [tilespmem:s19+$0xFFFFFD10]  }
0xe9: {  	v18 =	vld [tilespmem:s19+$0xFFFFFD00]  }
0xea: {  	v19 =	vld [tilespmem:s20+$0xFFFFFD10];
	_ =	sdelay $0x4  }
0xeb: {  	v16 =	vmul.f32 v16, v18;
	v17 =	vmul.f32 v19, v17;
	_ =	sdelay $0x1  }
0xec: {  	v16 =	vadd.f32 v17, v16;
	_ =	sdelay $0x1  }
0xed: {  	[tilespmem:v2+s2+$0x0] =	vst.idx.msk $0xffff, v16  }
0xee: {  	v16 =	vld [tilespmem:s20+$0xFFFFFD80]  }
0xef: {  	v17 =	vld [tilespmem:s19+$0xFFFFFD90]  }
0xf0: {  	v18 =	vld [tilespmem:s19+$0xFFFFFD80]  }
0xf1: {  	v19 =	vld [tilespmem:s20+$0xFFFFFD90];
	_ =	sdelay $0x4  }
0xf2: {  	v16 =	vmul.f32 v16, v18;
	v17 =	vmul.f32 v19, v17;
	_ =	sdelay $0x1  }
0xf3: {  	v16 =	vadd.f32 v17, v16;
	_ =	sdelay $0x1  }
0xf4: {  	[tilespmem:v3+s2+$0x0] =	vst.idx.msk $0xffff, v16  }
0xf5: {  	v16 =	vld [tilespmem:s20+$0xFFFFFE00]  }
0xf6: {  	v17 =	vld [tilespmem:s19+$0xFFFFFE10]  }
0xf7: {  	v18 =	vld [tilespmem:s19+$0xFFFFFE00]  }
0xf8: {  	v19 =	vld [tilespmem:s20+$0xFFFFFE10];
	_ =	sdelay $0x4  }
0xf9: {  	v16 =	vmul.f32 v16, v18;
	v17 =	vmul.f32 v19, v17;
	_ =	sdelay $0x1  }
0xfa: {  	v16 =	vadd.f32 v17, v16;
	_ =	sdelay $0x1  }
0xfb: {  	[tilespmem:v4+s2+$0x0] =	vst.idx.msk $0xffff, v16  }
0xfc: {  	v16 =	vld [tilespmem:s20+$0xFFFFFE80]  }
0xfd: {  	v17 =	vld [tilespmem:s19+$0xFFFFFE90]  }
0xfe: {  	v18 =	vld [tilespmem:s19+$0xFFFFFE80]  }
0xff: {  	v19 =	vld [tilespmem:s20+$0xFFFFFE90];
	_ =	sdelay $0x4  }
0x100: {  	v16 =	vmul.f32 v16, v18;
	v17 =	vmul.f32 v19, v17;
	_ =	sdelay $0x1  }
0x101: {  	v16 =	vadd.f32 v17, v16;
	_ =	sdelay $0x1  }
0x102: {  	[tilespmem:v5+s2+$0x0] =	vst.idx.msk $0xffff, v16  }
0x103: {  	v16 =	vld [tilespmem:s20+$0xFFFFFF10]  }
0x104: {  	v17 =	vld [tilespmem:s19+$0xFFFFFF10]  }
0x105: {  	v18 =	vld [tilespmem:s19+$0xFFFFFF00]  }
0x106: {  	v19 =	vld [tilespmem:s20+$0xFFFFFF00];
	_ =	sdelay $0x4  }
0x107: {  	v16 =	vmul.f32 v16, v17;
	v17 =	vmul.f32 v19, v18;
	_ =	sdelay $0x1  }
0x108: {  	v16 =	vadd.f32 v16, v17;
	_ =	sdelay $0x1  }
0x109: {  	[tilespmem:v6+s2+$0x0] =	vst.idx.msk $0xffff, v16  }
0x10a: {  	v16 =	vld [tilespmem:s20+$0xFFFFFF80]  }
0x10b: {  	v17 =	vld [tilespmem:s19+$0xFFFFFF90]  }
0x10c: {  	v18 =	vld [tilespmem:s19+$0xFFFFFF80]  }
0x10d: {  	v19 =	vld [tilespmem:s20+$0xFFFFFF90];
	_ =	sdelay $0x4  }
0x10e: {  	v16 =	vmul.f32 v16, v18;
	v17 =	vmul.f32 v19, v17;
	_ =	sdelay $0x1  }
0x10f: {  	v16 =	vadd.f32 v17, v16;
	_ =	sdelay $0x1  }
0x110: {  	[tilespmem:v7+s2+$0x0] =	vst.idx.msk $0xffff, v16  }
0x111: {  	v16 =	vld [tilespmem:s20+$0x0]  }
0x112: {  	v17 =	vld [tilespmem:s19+$0x10]  }
0x113: {  	v18 =	vld [tilespmem:s19+$0x0]  }
0x114: {  	v19 =	vld [tilespmem:s20+$0x10];
	_ =	sdelay $0x4  }
0x115: {  	v16 =	vmul.f32 v16, v18;
	v17 =	vmul.f32 v19, v17;
	_ =	sdelay $0x1  }
0x116: {  	v16 =	vadd.f32 v17, v16;
	_ =	sdelay $0x1  }
0x117: {  	[tilespmem:v8+s2+$0x0] =	vst.idx.msk $0xffff, v16  }
0x118: {  	v16 =	vld [tilespmem:s20+$0x80]  }
0x119: {  	v17 =	vld [tilespmem:s19+$0x90]  }
0x11a: {  	v18 =	vld [tilespmem:s19+$0x80]  }
0x11b: {  	v19 =	vld [tilespmem:s20+$0x90];
	_ =	sdelay $0x4  }
0x11c: {  	v16 =	vmul.f32 v16, v18;
	v17 =	vmul.f32 v19, v17;
	_ =	sdelay $0x1  }
0x11d: {  	v16 =	vadd.f32 v17, v16;
	_ =	sdelay $0x1  }
0x11e: {  	[tilespmem:v9+s2+$0x0] =	vst.idx.msk $0xffff, v16  }
0x11f: {  	v16 =	vld [tilespmem:s20+$0x110]  }
0x120: {  	v17 =	vld [tilespmem:s20+$0x100]  }
0x121: {  	v18 =	vld [tilespmem:s19+$0x110]  }
0x122: {  	v19 =	vld [tilespmem:s19+$0x100];
	_ =	sdelay $0x4  }
0x123: {  	v16 =	vmul.f32 v16, v18;
	v17 =	vmul.f32 v17, v19;
	_ =	sdelay $0x1  }
0x124: {  	v16 =	vadd.f32 v16, v17;
	_ =	sdelay $0x1  }
0x125: {  	[tilespmem:v10+s2+$0x0] =	vst.idx.msk $0xffff, v16  }
0x126: {  	v16 =	vld [tilespmem:s20+$0x180]  }
0x127: {  	v17 =	vld [tilespmem:s19+$0x190]  }
0x128: {  	v18 =	vld [tilespmem:s19+$0x180]  }
0x129: {  	v19 =	vld [tilespmem:s20+$0x190];
	_ =	sdelay $0x4  }
0x12a: {  	v16 =	vmul.f32 v16, v18;
	v17 =	vmul.f32 v19, v17;
	_ =	sdelay $0x1  }
0x12b: {  	v16 =	vadd.f32 v17, v16;
	_ =	sdelay $0x1  }
0x12c: {  	[tilespmem:v11+s2+$0x0] =	vst.idx.msk $0xffff, v16  }
0x12d: {  	v16 =	vld [tilespmem:s20+$0x210]  }
0x12e: {  	v17 =	vld [tilespmem:s19+$0x210]  }
0x12f: {  	v18 =	vld [tilespmem:s20+$0x200]  }
0x130: {  	v19 =	vld [tilespmem:s19+$0x200];
	_ =	sdelay $0x4  }
0x131: {  	v16 =	vmul.f32 v16, v17;
	v17 =	vmul.f32 v18, v19;
	_ =	sdelay $0x1  }
0x132: {  	v16 =	vadd.f32 v16, v17;
	_ =	sdelay $0x1  }
0x133: {  	[tilespmem:v12+s2+$0x0] =	vst.idx.msk $0xffff, v16  }
0x134: {  	v16 =	vld [tilespmem:s20+$0x290]  }
0x135: {  	v17 =	vld [tilespmem:s19+$0x290]  }
0x136: {  	v18 =	vld [tilespmem:s19+$0x280]  }
0x137: {  	v19 =	vld [tilespmem:s20+$0x280];
	_ =	sdelay $0x4  }
0x138: {  	v16 =	vmul.f32 v16, v17;
	v17 =	vmul.f32 v19, v18;
	_ =	sdelay $0x1  }
0x139: {  	v16 =	vadd.f32 v16, v17;
	_ =	sdelay $0x1  }
0x13a: {  	[tilespmem:v13+s2+$0x0] =	vst.idx.msk $0xffff, v16  }
0x13b: {  	v16 =	vld [tilespmem:s20+$0x300]  }
0x13c: {  	v17 =	vld [tilespmem:s19+$0x310]  }
0x13d: {  	v18 =	vld [tilespmem:s19+$0x300]  }
0x13e: {  	v19 =	vld [tilespmem:s20+$0x310];
	_ =	sdelay $0x4  }
0x13f: {  	v16 =	vmul.f32 v16, v18;
	v17 =	vmul.f32 v19, v17;
	_ =	sdelay $0x1  }
0x140: {  	v16 =	vadd.f32 v17, v16;
	_ =	sdelay $0x1  }
0x141: {  	[tilespmem:v14+s2+$0x0] =	vst.idx.msk $0xffff, v16  }
0x142: {  	v16 =	vld [tilespmem:s20+$0x390]  }
0x143: {  	v17 =	vld [tilespmem:s20+$0x380]  }
0x144: {  	v18 =	vld [tilespmem:s19+$0x390]  }
0x145: {  	v19 =	vld [tilespmem:s19+$0x380];
	_ =	sdelay $0x4  }
0x146: {  	v16 =	vmul.f32 v16, v18;
	v17 =	vmul.f32 v17, v19;
	_ =	sdelay $0x1  }
0x147: {  	v16 =	vadd.f32 v16, v17;
	_ =	sdelay $0x1  }
0x148: {  	[tilespmem:v15+s2+$0x0] =	vst.idx.msk $0xffff, v16  }
0x149: {  	v16 =	vld [tilespmem:$0x10600]  }
0x14a: {  	v17 =	vld [tilespmem:$0x10611]  }
0x14b: {  	v18 =	vld [tilespmem:$0x10622]  }
0x14c: {  	v20 =	vld [tilespmem:$0x10633]  }
0x14d: {  	v22 =	vld [tilespmem:$0x10644]  }
0x14e: {  	v24 =	vld [tilespmem:$0x10655]  }
0x14f: {  	v27 =	vld [tilespmem:$0x10666];
	v16 =	vadd.f32 v17, v16  }
0x150: {  	v26 =	vld [tilespmem:$0x10677]  }
0x151: {  	v19 =	vld [tilespmem:$0x10688];
	v16 =	vadd.f32 v18, v16  }
0x152: {  	s30 =	rddreg [dreg:$0x12];
	v21 =	vld [tilespmem:$0x106BB]  }
0x153: {  	s31 =	sadd.s32 $0x10400, s30;
	v23 =	vld [tilespmem:$0x106CC];
	v16 =	vadd.f32 v20, v16  }
0x154: {  	v25 =	vld [tilespmem:$0x106FF];
	v17 =	vmov s31  }
0x155: {  	v18 =	vld [tilespmem:$0x10699];
	v16 =	vadd.f32 v22, v16  }
0x156: {  	v20 =	vld [tilespmem:$0x106AA]  }
0x157: {  	v22 =	vld [tilespmem:$0x106DD];
	v28 =	vadd.f32 v24, v16  }
0x158: {  	s0 =	simm.s32 $0x0;
	s1 =	sadd.s32 $0x10780, s30;
	v24 =	vld [tilespmem:$0x106EE]  }
0x159: {  	s18 =	simm.s32 $0x40;
	v16 =	vmov s1;
	v28 =	vadd.f32 v27, v28;
	v27 =	vld.idx.msk [tilespmem:v17+s0+$0x0 ss:$0x1], $0xffff  }
.LBB2_5:
0x15a: {  	_ = 	snop  }
0x15b: {  	p1 =	sne.s32 s18, $0x3C0;
	s20 =	sadd.s32 $0x800, s20;
	s19 =	sadd.s32 $0x800, s19;
	v26 =	vadd.f32 v26, v28  }
0x15c: {  	s21 =	smov.u32 s18;
	s18 =	sadd.s32 $0x40, s18  }
0x15d: {  	v19 =	vadd.f32 v19, v26;
	_ =	sdelay $0x1  }
0x15e: {  	v18 =	vadd.f32 v18, v19;
	_ =	sdelay $0x1  }
0x15f: {  	v18 =	vadd.f32 v20, v18;
	_ =	sdelay $0x1  }
0x160: {  	v18 =	vadd.f32 v21, v18;
	_ =	sdelay $0x1  }
0x161: {  	v18 =	vadd.f32 v23, v18;
	_ =	sdelay $0x1  }
0x162: {  	v18 =	vadd.f32 v22, v18;
	_ =	sdelay $0x1  }
0x163: {  	v18 =	vadd.f32 v24, v18;
	_ =	sdelay $0x1  }
0x164: {  	v18 =	vadd.f32 v25, v18;
	_ =	sdelay $0x1  }
0x165: {  	v18 =	vadd.f32 v27, v18;
	_ =	sdelay $0x1  }
0x166: {  	v18 =	vsub.f32 $0.0e+00, v18;
	_ =	sdelay $0x1  }
0x167: {  	v18 =	vmul.f32 $1.442695020e+00, v18;
	_ =	sdelay $0x1  }
0x168: {  	(erf) = vpow2.f32 v18;
	_ =	sdelay $0x8  }
0x169: {  	v18 =	vpop (erf)  }
0x16a: {  	v18 =	vadd.f32 $1.000000000e+00, v18;
	_ =	sdelay $0x1  }
0x16b: {  	(erf) = vrcp.f32 v18;
	_ =	sdelay $0x8  }
0x16c: {  	v18 =	vpop (erf)  }
0x16d: {  	[tilespmem:v16+s0+$0x0 ss:$0x1] =	vst.idx.msk $0xffff, v18  }
0x16e: {  	v18 =	vld [tilespmem:s19+$0xFFFFFC00]  }
0x16f: {  	v19 =	vld [tilespmem:s20+$0xFFFFFC10]  }
0x170: {  	v20 =	vld [tilespmem:s20+$0xFFFFFC00]  }
0x171: {  	v21 =	vld [tilespmem:s19+$0xFFFFFC10];
	_ =	sdelay $0x3  }
0x172: {  	v18 =	vmul.f32 v20, v18  }
0x173: {  	v19 =	vmul.f32 v19, v21;
	_ =	sdelay $0x1  }
0x174: {  	v18 =	vadd.f32 v19, v18;
	_ =	sdelay $0x1  }
0x175: {  	[tilespmem:v0+s2+$0x0] =	vst.idx.msk $0xffff, v18  }
0x176: {  	v18 =	vld [tilespmem:s20+$0xFFFFFC90]  }
0x177: {  	v19 =	vld [tilespmem:s20+$0xFFFFFC80]  }
0x178: {  	v20 =	vld [tilespmem:s19+$0xFFFFFC90]  }
0x179: {  	v21 =	vld [tilespmem:s19+$0xFFFFFC80];
	_ =	sdelay $0x3  }
0x17a: {  	v18 =	vmul.f32 v18, v20  }
0x17b: {  	v19 =	vmul.f32 v19, v21;
	_ =	sdelay $0x1  }
0x17c: {  	v18 =	vadd.f32 v18, v19;
	_ =	sdelay $0x1  }
0x17d: {  	[tilespmem:v1+s2+$0x0] =	vst.idx.msk $0xffff, v18  }
0x17e: {  	v18 =	vld [tilespmem:s20+$0xFFFFFD00]  }
0x17f: {  	v19 =	vld [tilespmem:s19+$0xFFFFFD10]  }
0x180: {  	v20 =	vld [tilespmem:s19+$0xFFFFFD00]  }
0x181: {  	v21 =	vld [tilespmem:s20+$0xFFFFFD10];
	_ =	sdelay $0x3  }
0x182: {  	v18 =	vmul.f32 v18, v20  }
0x183: {  	v19 =	vmul.f32 v21, v19;
	_ =	sdelay $0x1  }
0x184: {  	v18 =	vadd.f32 v19, v18;
	_ =	sdelay $0x1  }
0x185: {  	[tilespmem:v2+s2+$0x0] =	vst.idx.msk $0xffff, v18  }
0x186: {  	v18 =	vld [tilespmem:s20+$0xFFFFFD80]  }
0x187: {  	v19 =	vld [tilespmem:s19+$0xFFFFFD90]  }
0x188: {  	v20 =	vld [tilespmem:s19+$0xFFFFFD80]  }
0x189: {  	v21 =	vld [tilespmem:s20+$0xFFFFFD90];
	_ =	sdelay $0x3  }
0x18a: {  	v18 =	vmul.f32 v18, v20  }
0x18b: {  	v19 =	vmul.f32 v21, v19;
	_ =	sdelay $0x1  }
0x18c: {  	v18 =	vadd.f32 v19, v18;
	_ =	sdelay $0x1  }
0x18d: {  	[tilespmem:v3+s2+$0x0] =	vst.idx.msk $0xffff, v18  }
0x18e: {  	v18 =	vld [tilespmem:s20+$0xFFFFFE00]  }
0x18f: {  	v19 =	vld [tilespmem:s19+$0xFFFFFE10]  }
0x190: {  	v20 =	vld [tilespmem:s19+$0xFFFFFE00]  }
0x191: {  	v21 =	vld [tilespmem:s20+$0xFFFFFE10];
	_ =	sdelay $0x3  }
0x192: {  	v18 =	vmul.f32 v18, v20  }
0x193: {  	v19 =	vmul.f32 v21, v19;
	_ =	sdelay $0x1  }
0x194: {  	v18 =	vadd.f32 v19, v18;
	_ =	sdelay $0x1  }
0x195: {  	[tilespmem:v4+s2+$0x0] =	vst.idx.msk $0xffff, v18  }
0x196: {  	v18 =	vld [tilespmem:s20+$0xFFFFFE80]  }
0x197: {  	v19 =	vld [tilespmem:s19+$0xFFFFFE90]  }
0x198: {  	v20 =	vld [tilespmem:s19+$0xFFFFFE80]  }
0x199: {  	v21 =	vld [tilespmem:s20+$0xFFFFFE90];
	_ =	sdelay $0x3  }
0x19a: {  	v18 =	vmul.f32 v18, v20  }
0x19b: {  	v19 =	vmul.f32 v21, v19;
	_ =	sdelay $0x1  }
0x19c: {  	v18 =	vadd.f32 v19, v18;
	_ =	sdelay $0x1  }
0x19d: {  	[tilespmem:v5+s2+$0x0] =	vst.idx.msk $0xffff, v18  }
0x19e: {  	v18 =	vld [tilespmem:s20+$0xFFFFFF10]  }
0x19f: {  	v19 =	vld [tilespmem:s19+$0xFFFFFF10]  }
0x1a0: {  	v20 =	vld [tilespmem:s19+$0xFFFFFF00]  }
0x1a1: {  	v21 =	vld [tilespmem:s20+$0xFFFFFF00];
	_ =	sdelay $0x2  }
0x1a2: {  	v18 =	vmul.f32 v18, v19;
	_ =	sdelay $0x1  }
0x1a3: {  	v19 =	vmul.f32 v21, v20;
	_ =	sdelay $0x1  }
0x1a4: {  	v18 =	vadd.f32 v18, v19;
	_ =	sdelay $0x1  }
0x1a5: {  	[tilespmem:v6+s2+$0x0] =	vst.idx.msk $0xffff, v18  }
0x1a6: {  	v18 =	vld [tilespmem:s20+$0xFFFFFF80]  }
0x1a7: {  	v19 =	vld [tilespmem:s19+$0xFFFFFF90]  }
0x1a8: {  	v20 =	vld [tilespmem:s19+$0xFFFFFF80]  }
0x1a9: {  	v21 =	vld [tilespmem:s20+$0xFFFFFF90];
	_ =	sdelay $0x3  }
0x1aa: {  	v18 =	vmul.f32 v18, v20  }
0x1ab: {  	v19 =	vmul.f32 v21, v19;
	_ =	sdelay $0x1  }
0x1ac: {  	v18 =	vadd.f32 v19, v18;
	_ =	sdelay $0x1  }
0x1ad: {  	[tilespmem:v7+s2+$0x0] =	vst.idx.msk $0xffff, v18  }
0x1ae: {  	v18 =	vld [tilespmem:s20+$0x0]  }
0x1af: {  	v19 =	vld [tilespmem:s19+$0x10]  }
0x1b0: {  	v20 =	vld [tilespmem:s19+$0x0]  }
0x1b1: {  	v21 =	vld [tilespmem:s20+$0x10];
	_ =	sdelay $0x3  }
0x1b2: {  	v18 =	vmul.f32 v18, v20  }
0x1b3: {  	v19 =	vmul.f32 v21, v19;
	_ =	sdelay $0x1  }
0x1b4: {  	v18 =	vadd.f32 v19, v18;
	_ =	sdelay $0x1  }
0x1b5: {  	[tilespmem:v8+s2+$0x0] =	vst.idx.msk $0xffff, v18  }
0x1b6: {  	v18 =	vld [tilespmem:s20+$0x80]  }
0x1b7: {  	v19 =	vld [tilespmem:s19+$0x90]  }
0x1b8: {  	v20 =	vld [tilespmem:s19+$0x80]  }
0x1b9: {  	v21 =	vld [tilespmem:s20+$0x90];
	_ =	sdelay $0x3  }
0x1ba: {  	v18 =	vmul.f32 v18, v20  }
0x1bb: {  	v19 =	vmul.f32 v21, v19;
	_ =	sdelay $0x1  }
0x1bc: {  	v18 =	vadd.f32 v19, v18;
	_ =	sdelay $0x1  }
0x1bd: {  	[tilespmem:v9+s2+$0x0] =	vst.idx.msk $0xffff, v18  }
0x1be: {  	v18 =	vld [tilespmem:s20+$0x110]  }
0x1bf: {  	v19 =	vld [tilespmem:s20+$0x100]  }
0x1c0: {  	v20 =	vld [tilespmem:s19+$0x110]  }
0x1c1: {  	v21 =	vld [tilespmem:s19+$0x100];
	_ =	sdelay $0x3  }
0x1c2: {  	v18 =	vmul.f32 v18, v20  }
0x1c3: {  	v19 =	vmul.f32 v19, v21;
	_ =	sdelay $0x1  }
0x1c4: {  	v18 =	vadd.f32 v18, v19;
	_ =	sdelay $0x1  }
0x1c5: {  	[tilespmem:v10+s2+$0x0] =	vst.idx.msk $0xffff, v18  }
0x1c6: {  	v18 =	vld [tilespmem:s20+$0x180]  }
0x1c7: {  	v19 =	vld [tilespmem:s19+$0x190]  }
0x1c8: {  	v20 =	vld [tilespmem:s19+$0x180]  }
0x1c9: {  	v21 =	vld [tilespmem:s20+$0x190];
	_ =	sdelay $0x3  }
0x1ca: {  	v18 =	vmul.f32 v18, v20  }
0x1cb: {  	v19 =	vmul.f32 v21, v19;
	_ =	sdelay $0x1  }
0x1cc: {  	v18 =	vadd.f32 v19, v18;
	_ =	sdelay $0x1  }
0x1cd: {  	[tilespmem:v11+s2+$0x0] =	vst.idx.msk $0xffff, v18  }
0x1ce: {  	v18 =	vld [tilespmem:s20+$0x210]  }
0x1cf: {  	v19 =	vld [tilespmem:s19+$0x210]  }
0x1d0: {  	v20 =	vld [tilespmem:s20+$0x200]  }
0x1d1: {  	v21 =	vld [tilespmem:s19+$0x200];
	_ =	sdelay $0x3  }
0x1d2: {  	v18 =	vmul.f32 v18, v19  }
0x1d3: {  	v19 =	vmul.f32 v20, v21;
	_ =	sdelay $0x1  }
0x1d4: {  	v18 =	vadd.f32 v18, v19;
	_ =	sdelay $0x1  }
0x1d5: {  	[tilespmem:v12+s2+$0x0] =	vst.idx.msk $0xffff, v18  }
0x1d6: {  	v18 =	vld [tilespmem:s20+$0x290]  }
0x1d7: {  	v19 =	vld [tilespmem:s19+$0x290]  }
0x1d8: {  	v20 =	vld [tilespmem:s19+$0x280]  }
0x1d9: {  	v21 =	vld [tilespmem:s20+$0x280];
	_ =	sdelay $0x2  }
0x1da: {  	v18 =	vmul.f32 v18, v19;
	_ =	sdelay $0x1  }
0x1db: {  	v19 =	vmul.f32 v21, v20;
	_ =	sdelay $0x1  }
0x1dc: {  	v18 =	vadd.f32 v18, v19;
	_ =	sdelay $0x1  }
0x1dd: {  	[tilespmem:v13+s2+$0x0] =	vst.idx.msk $0xffff, v18  }
0x1de: {  	v18 =	vld [tilespmem:s20+$0x300]  }
0x1df: {  	v19 =	vld [tilespmem:s19+$0x310]  }
0x1e0: {  	v20 =	vld [tilespmem:s19+$0x300]  }
0x1e1: {  	v21 =	vld [tilespmem:s20+$0x310];
	_ =	sdelay $0x3  }
0x1e2: {  	v18 =	vmul.f32 v18, v20  }
0x1e3: {  	v19 =	vmul.f32 v21, v19;
	_ =	sdelay $0x1  }
0x1e4: {  	v18 =	vadd.f32 v19, v18;
	_ =	sdelay $0x1  }
0x1e5: {  	[tilespmem:v14+s2+$0x0] =	vst.idx.msk $0xffff, v18  }
0x1e6: {  	v18 =	vld [tilespmem:s20+$0x390]  }
0x1e7: {  	v19 =	vld [tilespmem:s20+$0x380]  }
0x1e8: {  	v20 =	vld [tilespmem:s19+$0x390]  }
0x1e9: {  	v21 =	vld [tilespmem:s19+$0x380];
	_ =	sdelay $0x3  }
0x1ea: {  	v18 =	vmul.f32 v18, v20  }
0x1eb: {  	v19 =	vmul.f32 v19, v21;
	_ =	sdelay $0x1  }
0x1ec: {  	v18 =	vadd.f32 v18, v19;
	_ =	sdelay $0x1  }
0x1ed: {  	[tilespmem:v15+s2+$0x0] =	vst.idx.msk $0xffff, v18  }
0x1ee: {  	v18 =	vld [tilespmem:$0x10600]  }
0x1ef: {  	v19 =	vld [tilespmem:$0x10611]  }
0x1f0: {  	v20 =	vld [tilespmem:$0x10622]  }
0x1f1: {  	v21 =	vld [tilespmem:$0x10633]  }
0x1f2: {  	v22 =	vld [tilespmem:$0x10644]  }
0x1f3: {  	v24 =	vld [tilespmem:$0x10655]  }
0x1f4: {  	v18 =	vadd.f32 v19, v18;
	v27 =	vld [tilespmem:$0x10666]  }
0x1f5: {  	v26 =	vld [tilespmem:$0x10677]  }
0x1f6: {  	v20 =	vadd.f32 v20, v18;
	v19 =	vld [tilespmem:$0x10688]  }
0x1f7: {  	v18 =	vld [tilespmem:$0x10699]  }
0x1f8: {  	v23 =	vadd.f32 v21, v20;
	v20 =	vld [tilespmem:$0x106AA]  }
0x1f9: {  	v21 =	vld [tilespmem:$0x106BB]  }
.Ltmp1:
0x1fa: {  	v25 =	vadd.f32 v22, v23;
	v23 =	vld [tilespmem:$0x106CC];
	(pc) =	sbr.rel @p1 .LBB2_5-.Ltmp1, $4  }
0x1fb: {  	v22 =	vld [tilespmem:$0x106DD]  }
0x1fc: {  	v28 =	vadd.f32 v24, v25;
	v24 =	vld [tilespmem:$0x106EE]  }
0x1fd: {  	s0 =	sshra.s32 s21, $0x2;
	v25 =	vld [tilespmem:$0x106FF]  }
0x1fe: {  	v28 =	vadd.f32 v27, v28;
	v27 =	vld.idx.msk [tilespmem:v17+s0+$0x0 ss:$0x1], $0xffff  }
0x1ff: {  	_ = 	snop  }
0x200: {  	v17 =	vadd.f32 v26, v28;
	_ =	sdelay $0x1  }
0x201: {  	v17 =	vadd.f32 v19, v17;
	_ =	sdelay $0x1  }
0x202: {  	v17 =	vadd.f32 v18, v17;
	_ =	sdelay $0x1  }
0x203: {  	v17 =	vadd.f32 v20, v17;
	_ =	sdelay $0x1  }
0x204: {  	v17 =	vadd.f32 v21, v17;
	_ =	sdelay $0x1  }
0x205: {  	v17 =	vadd.f32 v23, v17;
	_ =	sdelay $0x1  }
0x206: {  	v17 =	vadd.f32 v22, v17;
	_ =	sdelay $0x1  }
0x207: {  	v17 =	vadd.f32 v24, v17;
	_ =	sdelay $0x1  }
0x208: {  	v17 =	vadd.f32 v25, v17;
	_ =	sdelay $0x1  }
0x209: {  	v17 =	vadd.f32 v27, v17;
	_ =	sdelay $0x1  }
0x20a: {  	v17 =	vsub.f32 $0.0e+00, v17;
	_ =	sdelay $0x1  }
0x20b: {  	v17 =	vmul.f32 $1.442695020e+00, v17;
	_ =	sdelay $0x1  }
0x20c: {  	(erf) = vpow2.f32 v17;
	_ =	sdelay $0x8  }
0x20d: {  	v17 =	vpop (erf)  }
0x20e: {  	v17 =	vadd.f32 $1.000000000e+00, v17;
	_ =	sdelay $0x1  }
0x20f: {  	(erf) = vrcp.f32 v17;
	_ =	sdelay $0x5  }
.Ltmp2:
0x210: {  	_ = 	snop;
	(pc) =	sbr.rel @p0 .LBB2_2-.Ltmp2, $3  }
0x211: {  	_ =	sdelay $0x1  }
0x212: {  	v17 =	vpop (erf)  }
0x213: {  	p1 =	por $0x0, $0x0;
	[tilespmem:v16+s0+$0x0 ss:$0x1] =	vst.idx.msk $0xffff, v17;
	s0 =	simm.s32 $0x100  }
0x214: {  	s0 =	rddreg [dreg:$0xf];
	s1 =	simm.s32 $0x10780  }
0x215: {  	[hbm4b:s0+s7] =	stream.linear.scatter [tilespmem:s1], [sflag:$0x3], $0x200, $0x38;
	[tilespmem:$0x10980] =	vst v63  }
0x216: {  	s1 =	simm.s32 $0x3  }
0x217: {  	_ =	swait.ge [sflag:s1], $0x200  }
0x218: {  	s2 =	rddreg [dreg:$0x11]  }
0x219: {  	s31 =	rddreg [dreg:$0x10];
	s2 =	sadd.s32 $0x1, s2  }
0x21a: {  	p0 =	sne.s32 s2, s31  }
.Ltmp3:
0x21b: {  	_ = 	snop;
	(pc) =	sbr.rel @p0 .LBB2_1-.Ltmp3, $3  }
0x21c: {  	_ =	sdelay $0x1  }
0x21d: {  	[sflag:s1] =	ssyncset.done $0x0  }
0x21e: {  	[sflag:s1] =	ssyncadd.s32 $0xFFFFFE00  }
0x21f: {  	_ =	sfence.sel $0x180000  }
0x220: {  	[bflag:$0x0] =	sbarrier.arrive $0xFFFF  }
0x221: {  	_ =	strace $0x9000004D  }
0x222: {  	s0 =	stileid.u32;
	[bflag:$0x2] =	sbarrier.arrive $0xFFFF  }
0x223: {  	p0 =	sne.s32 s0, $0x0;
	s0 =	rddreg [dreg:$0x2]  }
0x224: {  	s0 =	sadd.s32 @!p0 $0x100000, s0  }
0x225: {  	[sflag:s0] =	ssyncadd.tile.s32 @!p0 $0x1;
	_ =	shalt  }
.Lfunc_end2:
_tile_overlayer_lowered:
.L_overlay_start_2:
0x226: {  	(tag) =	ssettag $0x2  }
0x227: {  	s0 =	rddreg [dreg:$0x0];
	s2 =	stileid.u32  }
0x228: {  	s1 =	rddreg [dreg:$0x1];
	p0 =	sne.s32 s2, $0x0  }
0x229: {  	s3 =	rddreg [dreg:$0x2];
	[bflag:$0x3] =	sbarrier.arrive $0xFFFF;
	s2 =	simm.s32 @!p0 $0x1C03  }
0x22a: {  	[timem:s3], [sflag:s2] =	dma.local @!p0 [hbm:s0], s1  }
0x22b: {  	s0 =	simm.s32 @!p0 $0x3  }
0x22c: {  	_ =	swait.ge @!p0 [sflag:s0], s1  }
0x22d: {  	s1 =	ssub.s32 @!p0 $0x0, s1;
	[sflag:s0] =	ssyncset.done @!p0 $0x0  }
0x22e: {  	[sflag:s0] =	ssyncadd.s32 @!p0 s1  }
0x22f: {  	[bflag:$0x3] =	sbarrier.arrive $0xFFFF  }
0x230: {  	_ =	shalt  }

</sc_bundles>
